<compile_context>
chip_gen: v7x
topology: tpu7x:2x2x1
jax: 0.10.2.dev20260603
libtpu: 0.0.44.dev20260713+nightly
codegen_flags: <defaults>
</compile_context>

<pallas_src>
import jax
import jax.numpy as jnp
from jax import lax
from jax.experimental import pallas as pl
from jax.experimental.pallas import tpu as pltpu
from jax.experimental.pallas import tpu_sc as plsc

B = 4096
CONT_F = 13
CATE_F = 26
CATE_FP = 32
COMB_F = 325
COMB_FP = 328
OD = 40
ODP = 128
CD = 10
CDP = 16
H = 100

NC, NS = 2, 16
NW = NC * NS

CHUNK = 128
CATE_CH_W = (B // NW) * CATE_FP // CHUNK
COMB_CH_W = (B // NW) * COMB_FP // CHUNK
CATE_WIN = 1
COMB_WIN = 8
CATE_NWIN = CATE_CH_W // CATE_WIN
COMB_NWIN = COMB_CH_W // COMB_WIN


def _sc_gather_body(cates_hbm, combs_hbm, cate_tab, comb_tab,
                    cate_out, comb_out,
                    cate_idx_v, comb_idx_v, cate_buf, comb_buf, sem, osem):
    wid = lax.axis_index("s") * NC + lax.axis_index("c")

    pltpu.sync_copy(cates_hbm.at[wid], cate_idx_v)
    pltpu.sync_copy(combs_hbm.at[wid], comb_idx_v)

    def win_loop(tab, idx_v, buf, out, ch_per_w, win, nwin, gsem, osem):
        obase = wid * ch_per_w

        def drain_gathers(parity):
            for j in range(win):
                pltpu.make_async_copy(
                    tab.at[idx_v.at[0]], buf.at[parity, j], gsem).wait()

        def body(w, carry):
            parity = lax.rem(w, 2)
            @pl.when(w >= 2)
            def _():
                pltpu.make_async_copy(
                    buf.at[parity], out.at[pl.ds(obase, win)], osem).wait()
            for j in range(win):
                pltpu.async_copy(
                    tab.at[idx_v.at[w * win + j]], buf.at[parity, j], gsem)
            @pl.when(w >= 1)
            def _():
                drain_gathers(1 - parity)
                pltpu.async_copy(
                    buf.at[1 - parity],
                    out.at[pl.ds(obase + (w - 1) * win, win)], osem)
            return carry

        lax.fori_loop(0, nwin, body, 0, unroll=False)
        last = nwin - 1
        drain_gathers(last % 2)
        pltpu.async_copy(buf.at[last % 2],
                         out.at[pl.ds(obase + last * win, win)], osem)
        for k in range(min(2, nwin)):
            pltpu.make_async_copy(
                buf.at[k], out.at[pl.ds(obase, win)], osem).wait()

    win_loop(cate_tab, cate_idx_v, cate_buf, cate_out,
             CATE_CH_W, CATE_WIN, CATE_NWIN, sem, osem)
    win_loop(comb_tab, comb_idx_v, comb_buf, comb_out,
             COMB_CH_W, COMB_WIN, COMB_NWIN, sem, osem)


def _sc_gather(cates_w, combs_w, cate_table_b, comb_table_b):
    mesh = plsc.VectorSubcoreMesh(core_axis_name="c", subcore_axis_name="s")
    run = pl.kernel(
        _sc_gather_body,
        out_type=(
            jax.ShapeDtypeStruct((NW * CATE_CH_W, CHUNK, ODP), jnp.float32),
            jax.ShapeDtypeStruct((NW * COMB_CH_W, CHUNK, CDP), jnp.float32),
        ),
        mesh=mesh,
        scratch_types=[
            pltpu.VMEM((CATE_CH_W, CHUNK), jnp.int32),
            pltpu.VMEM((COMB_CH_W, CHUNK), jnp.int32),
            pltpu.VMEM((2, CATE_WIN, CHUNK, ODP), jnp.float32),
            pltpu.VMEM((2, COMB_WIN, CHUNK, CDP), jnp.float32),
            pltpu.SemaphoreType.DMA,
            pltpu.SemaphoreType.DMA,
        ],
        compiler_params=pltpu.CompilerParams(use_tc_tiling_on_sc=False),
    )
    return run(cates_w, combs_w, cate_table_b, comb_table_b)


BT = 256


def _tc_mlp_body(conts_ref, xc_ref, xb_ref, e_ref, w1cs_ref, w1cat_ref,
                 w1comb_ref, b1_ref, g1_ref, be1_ref, w2_ref, b2_ref, g2_ref,
                 be2_ref, wo_ref, bo_ref, out_ref):
    f32 = jnp.float32
    ce = jnp.dot(conts_ref[...], e_ref[...], preferred_element_type=f32)
    h = jnp.dot(ce, w1cs_ref[...], preferred_element_type=f32)
    for f in range(CATE_FP):
        xf = xc_ref[:, f].reshape(BT, CHUNK)
        h += jnp.dot(xf, w1cat_ref[f], preferred_element_type=f32)
    h += jnp.dot(xb_ref[...], w1comb_ref[...], preferred_element_type=f32)
    h += b1_ref[...]

    def layernorm(x, g, b):
        m = jnp.mean(x, axis=-1, keepdims=True)
        v = jnp.mean((x - m) * (x - m), axis=-1, keepdims=True)
        return (x - m) * lax.rsqrt(v + 1e-5) * g + b

    h = jnp.maximum(layernorm(h, g1_ref[...], be1_ref[...]), 0.0)
    h = jnp.dot(h, w2_ref[...], preferred_element_type=f32) + b2_ref[...]
    h = jnp.maximum(layernorm(h, g2_ref[...], be2_ref[...]), 0.0)
    logit = jnp.dot(h, wo_ref[...], preferred_element_type=f32) + bo_ref[...]
    out_ref[...] = 1.0 / (1.0 + jnp.exp(-logit))


def _tc_mlp(conts, xc, xb, e_mat, w1cs, w1cat, w1comb, b1, g1, be1,
            w2t, b2, g2, be2, wot, bo):
    full = lambda shape: pl.BlockSpec(shape, lambda i: (0, 0))
    tile = lambda w: pl.BlockSpec((BT, w), lambda i: (i, 0))
    return pl.pallas_call(
        _tc_mlp_body,
        grid=(B // BT,),
        in_specs=[
            tile(CONT_F),
            pl.BlockSpec((BT // 8, CATE_FP, 8, CHUNK),
                         lambda i: (i, 0, 0, 0)),
            tile(COMB_FP * CDP),
            full((CONT_F, CONT_F * OD)),
            full((CONT_F * OD, H)),
            pl.BlockSpec((CATE_FP, CHUNK, H),
                         lambda i: (0, 0, 0)),
            full((COMB_FP * CDP, H)),
            full((1, H)), full((1, H)), full((1, H)),
            full((H, H)),
            full((1, H)), full((1, H)), full((1, H)),
            full((H, 1)),
            full((1, 1)),
        ],
        out_specs=pl.BlockSpec((BT, 1), lambda i: (i, 0)),
        out_shape=jax.ShapeDtypeStruct((B, 1), jnp.float32),
    )(conts, xc, xb, e_mat, w1cs, w1cat, w1comb, b1, g1, be1,
      w2t, b2, g2, be2, wot, bo)


def kernel(conts, cates, combs, cate_table, comb_table,
           W1, b1, g1, be1, W2, b2, g2, be2, Wo, bo):
    cates_w = jnp.concatenate(
        [cates, jnp.zeros((B, CATE_FP - CATE_F), jnp.int32)], axis=1)
    cates_w = jnp.transpose(cates_w.reshape(B // 8, 8, CATE_FP), (0, 2, 1))
    cates_w = cates_w.reshape(NW, CATE_CH_W, CHUNK)
    combs_w = jnp.concatenate(
        [combs, jnp.zeros((B, COMB_FP - COMB_F), jnp.int32)], axis=1)
    combs_w = combs_w.reshape(NW, COMB_CH_W, CHUNK)

    comb_p = jnp.pad(comb_table, ((0, 0), (0, CDP - CD)))
    cate_p = jnp.pad(cate_table, ((0, 0), (0, ODP - OD)))
    cate_rows, comb_rows = _sc_gather(cates_w, combs_w, cate_p, comb_p)
    xc = cate_rows.reshape(B // 8, CATE_FP, 8, CHUNK)
    xb = comb_rows.reshape(B, COMB_FP * CDP)

    n_cont = CONT_F * OD
    c13_flat = cate_table[:CONT_F].reshape(n_cont)
    e_mat = jnp.repeat(jnp.eye(CONT_F, dtype=jnp.float32), OD, axis=1)
    w1cs = W1[:, :n_cont].T * c13_flat[:, None]
    w1cat = W1[:, n_cont:n_cont + CATE_F * OD].T.reshape(CATE_F, OD, H)
    w1cat = jnp.pad(w1cat, ((0, CATE_FP - CATE_F), (0, ODP - OD), (0, 0)))
    w1comb = W1[:, n_cont + CATE_F * OD:].T.reshape(COMB_F, CD, H)
    w1comb = jnp.concatenate(
        [w1comb, jnp.zeros((COMB_F, CDP - CD, H), jnp.float32)], axis=1)
    w1comb = jnp.concatenate(
        [w1comb, jnp.zeros((COMB_FP - COMB_F, CDP, H), jnp.float32)], axis=0)
    w1comb = w1comb.reshape(COMB_FP * CDP, H)

    out = _tc_mlp(conts, xc, xb, e_mat, w1cs, w1cat, w1comb,
                  b1.reshape(1, H), g1.reshape(1, H), be1.reshape(1, H),
                  W2.T, b2.reshape(1, H), g2.reshape(1, H), be2.reshape(1, H),
                  Wo.T, bo.reshape(1, 1))
    return out

# --- scband reference (transcript-rebuilt; emitter-appended) ---
"""Pipeline reference for scband-dnn-cart-5944234738101 (READ-ONLY COPY).

The authoritative reference and input builder live on the scoring server;
editing this copy changes nothing except your own understanding.
"""

import jax, jax.numpy as jnp
import numpy as np

CONT_FIELD = 13
CATE_FIELD = 26
COMB_FIELD = 325
CATE_CONT_FEATURE = 1000000
COMB_FEATURE = 1000000
ORIG_DIM = 40
COMB_DIM = 10
H1 = 100
H2 = 100
BATCH = 4096
FIRST = ORIG_DIM * (CATE_FIELD + CONT_FIELD) + COMB_DIM * COMB_FIELD  # 4810


def setup_inputs(seed: int = 0) -> dict:
    key = jax.random.key(seed)
    ks = jax.random.split(key, 16)
    conts = jax.random.uniform(ks[0], (BATCH, CONT_FIELD), dtype=jnp.float32)
    cates = jax.random.randint(ks[1], (BATCH, CATE_FIELD), 0, CATE_CONT_FEATURE, dtype=jnp.int32)
    combs = jax.random.randint(ks[2], (BATCH, COMB_FIELD), 0, COMB_FEATURE, dtype=jnp.int32)
    a1 = float(np.square(3.0 / (CATE_FIELD * ORIG_DIM)))
    a2 = float(np.square(3.0 / (COMB_FIELD * COMB_DIM)))
    cate_table = jax.random.uniform(ks[3], (CATE_CONT_FEATURE, ORIG_DIM), minval=-a1, maxval=a1, dtype=jnp.float32)
    comb_table = jax.random.uniform(ks[4], (COMB_FEATURE, COMB_DIM), minval=-a2, maxval=a2, dtype=jnp.float32)
    lim1 = float(np.sqrt(6.0 / (FIRST + H1)))
    lim2 = float(np.sqrt(6.0 / (H1 + H2)))
    limo = float(np.sqrt(6.0 / (H2 + 1)))
    W1 = jax.random.uniform(ks[5], (H1, FIRST), minval=-lim1, maxval=lim1, dtype=jnp.float32)
    b1 = jnp.zeros((H1,), dtype=jnp.float32)
    g1 = jnp.ones((H1,), dtype=jnp.float32)
    be1 = jnp.zeros((H1,), dtype=jnp.float32)
    W2 = jax.random.uniform(ks[6], (H2, H1), minval=-lim2, maxval=lim2, dtype=jnp.float32)
    b2 = jnp.zeros((H2,), dtype=jnp.float32)
    g2 = jnp.ones((H2,), dtype=jnp.float32)
    be2 = jnp.zeros((H2,), dtype=jnp.float32)
    Wo = jax.random.uniform(ks[7], (1, H2), minval=-limo, maxval=limo, dtype=jnp.float32)
    bo = jnp.zeros((1,), dtype=jnp.float32)
    return {"conts": conts, "cates": cates, "combs": combs,
            "cate_table": cate_table, "comb_table": comb_table,
            "W1": W1, "b1": b1, "g1": g1, "be1": be1,
            "W2": W2, "b2": b2, "g2": g2, "be2": be2,
            "Wo": Wo, "bo": bo}


def _layernorm(x, g, b, eps=1e-5):
    m = jnp.mean(x, axis=-1, keepdims=True)
    v = jnp.var(x, axis=-1, keepdims=True)
    return (x - m) / jnp.sqrt(v + eps) * g + b


def reference(conts, cates, combs, cate_table, comb_table,
              W1, b1, g1, be1, W2, b2, g2, be2, Wo, bo):
    B = conts.shape[0]
    # continuous fields: embed arange(cont_field) then scale by values
    cont_idx = jnp.arange(CONT_FIELD, dtype=jnp.int32)
    cont_emb = jnp.take(cate_table, cont_idx, axis=0)          # [13, 40]
    cont_emb = cont_emb[None, :, :] * conts[:, :, None]        # [B, 13, 40]
    # categorical embedding lookup
    cate_emb = jnp.take(cate_table, cates, axis=0)             # [B, 26, 40]
    cont_cate = jnp.concatenate([cont_emb, cate_emb], axis=1)  # [B, 39, 40]
    # combination feature lookup (alpha_mode=1 -> final_comb_embedding = comb_embedding)
    comb_emb = jnp.take(comb_table, combs, axis=0)             # [B, 325, 10]
    X = jnp.concatenate([cont_cate.reshape(B, -1), comb_emb.reshape(B, -1)], axis=1)
    X = X @ W1.T + b1
    X = _layernorm(X, g1, be1)
    X = jax.nn.relu(X)
    X = X @ W2.T + b2
    X = _layernorm(X, g2, be2)
    X = jax.nn.relu(X)
    logit = X @ Wo.T + bo
    return jax.nn.sigmoid(logit)

if __name__ == "__main__":
    import jax
    _d = setup_inputs()
    print(jax.jit(kernel)(*tuple(_d.values())))

</pallas_src>

<mosaic_0001>
#map = affine_map<(d0, d1) -> (0, 0, 0)>
#map1 = affine_map<(d0, d1) -> (0, 0)>
module attributes {stable_mosaic.version = 14 : i64} {
  func.func @_sc_gather_body(%arg0: i32, %arg1: i32, %arg2: memref<32x32x128xi32, #tpu.memory_space<hbm>>, %arg3: memref<32x328x128xi32, #tpu.memory_space<hbm>>, %arg4: memref<1000000x128xf32, #tpu.memory_space<hbm>>, %arg5: memref<1000000x16xf32, #tpu.memory_space<hbm>>, %arg6: memref<1024x128x128xf32, #tpu.memory_space<hbm>>, %arg7: memref<10496x128x16xf32, #tpu.memory_space<hbm>>, %arg8: memref<32x128xi32, #tpu.memory_space<vmem>>, %arg9: memref<328x128xi32, #tpu.memory_space<vmem>>, %arg10: memref<2x1x128x128xf32, #tpu.memory_space<vmem>>, %arg11: memref<2x8x128x16xf32, #tpu.memory_space<vmem>>, %arg12: memref<!tpu.dma_semaphore, #tpu.memory_space<semaphore_mem>>, %arg13: memref<!tpu.dma_semaphore, #tpu.memory_space<semaphore_mem>>) attributes {dimension_semantics = [#tpu.dimension_semantics<core_parallel>, #tpu.dimension_semantics<subcore_parallel>], iteration_bounds = array<i64: 2, 16>, scalar_prefetch = 0 : i64, scratch_operands = 6 : i64, tpu.core_type = #tpu.core_type<sc_vector_subcore>, window_params = [{transform_indices = #map}, {transform_indices = #map}, {transform_indices = #map1}, {transform_indices = #map1}, {transform_indices = #map}, {transform_indices = #map}]} {
    %mul3A = arith.constant 2 : i32
    %mul3A_0 = arith.muli %arg1, %mul3A : i32
    %add3A = arith.addi %mul3A_0, %arg0 : i32
    "tpu.region"() ({
      %run_scoped3A = tpu.sem_alloc : memref<!tpu.dma_semaphore, #tpu.memory_space<semaphore_mem>>
      %dma_start3A_237 = arith.constant 0 : i32
      %dma_start3A_238 = arith.constant 0 : i32
      %dma_start3A_239 = tpu.memref_slice %arg2[%add3A, %dma_start3A_237, %dma_start3A_238] : memref<32x32x128xi32, #tpu.memory_space<hbm>> -> memref<1x32x128xi32, #tpu.memory_space<hbm>>
      %dma_start3A_240 = tpu.memref_squeeze %dma_start3A_239 : memref<1x32x128xi32, #tpu.memory_space<hbm>> -> memref<32x128xi32, #tpu.memory_space<hbm>>
      %dma_start3A_241 = arith.constant 0 : i32
      %dma_start3A_242 = arith.constant 0 : i32
      %dma_start3A_243 = tpu.memref_slice %arg2[%add3A, %dma_start3A_241, %dma_start3A_242] : memref<32x32x128xi32, #tpu.memory_space<hbm>> -> memref<1x32x128xi32, #tpu.memory_space<hbm>>
      %dma_start3A_244 = tpu.memref_squeeze %dma_start3A_243 : memref<1x32x128xi32, #tpu.memory_space<hbm>> -> memref<32x128xi32, #tpu.memory_space<hbm>>
      tpu.enqueue_dma source(%dma_start3A_244 : memref<32x128xi32, #tpu.memory_space<hbm>>) target(%arg8 : memref<32x128xi32, #tpu.memory_space<vmem>>) target_semaphore(%run_scoped3A : memref<!tpu.dma_semaphore, #tpu.memory_space<semaphore_mem>>)
      %dma_wait3A_245 = arith.constant 0 : i32
      %dma_wait3A_246 = arith.constant 0 : i32
      %dma_wait3A_247 = tpu.memref_slice %arg2[%add3A, %dma_wait3A_245, %dma_wait3A_246] : memref<32x32x128xi32, #tpu.memory_space<hbm>> -> memref<1x32x128xi32, #tpu.memory_space<hbm>>
      %dma_wait3A_248 = tpu.memref_squeeze %dma_wait3A_247 : memref<1x32x128xi32, #tpu.memory_space<hbm>> -> memref<32x128xi32, #tpu.memory_space<hbm>>
      %dma_wait3A_249 = arith.constant 0 : i32
      %dma_wait3A_250 = arith.constant 0 : i32
      %dma_wait3A_251 = tpu.memref_slice %arg2[%add3A, %dma_wait3A_249, %dma_wait3A_250] : memref<32x32x128xi32, #tpu.memory_space<hbm>> -> memref<1x32x128xi32, #tpu.memory_space<hbm>>
      %dma_wait3A_252 = tpu.memref_squeeze %dma_wait3A_251 : memref<1x32x128xi32, #tpu.memory_space<hbm>> -> memref<32x128xi32, #tpu.memory_space<hbm>>
      tpu.wait_dma2 semaphore(%run_scoped3A : memref<!tpu.dma_semaphore, #tpu.memory_space<semaphore_mem>>) src(%dma_wait3A_252 : memref<32x128xi32, #tpu.memory_space<hbm>>) dst(%arg8 : memref<32x128xi32, #tpu.memory_space<vmem>>)
      tpu.yield
    }) : () -> ()
    "tpu.region"() ({
      %run_scoped3A = tpu.sem_alloc : memref<!tpu.dma_semaphore, #tpu.memory_space<semaphore_mem>>
      %dma_start3A_237 = arith.constant 0 : i32
      %dma_start3A_238 = arith.constant 0 : i32
      %dma_start3A_239 = tpu.memref_slice %arg3[%add3A, %dma_start3A_237, %dma_start3A_238] : memref<32x328x128xi32, #tpu.memory_space<hbm>> -> memref<1x328x128xi32, #tpu.memory_space<hbm>>
      %dma_start3A_240 = tpu.memref_squeeze %dma_start3A_239 : memref<1x328x128xi32, #tpu.memory_space<hbm>> -> memref<328x128xi32, #tpu.memory_space<hbm>>
      %dma_start3A_241 = arith.constant 0 : i32
      %dma_start3A_242 = arith.constant 0 : i32
      %dma_start3A_243 = tpu.memref_slice %arg3[%add3A, %dma_start3A_241, %dma_start3A_242] : memref<32x328x128xi32, #tpu.memory_space<hbm>> -> memref<1x328x128xi32, #tpu.memory_space<hbm>>
      %dma_start3A_244 = tpu.memref_squeeze %dma_start3A_243 : memref<1x328x128xi32, #tpu.memory_space<hbm>> -> memref<328x128xi32, #tpu.memory_space<hbm>>
      tpu.enqueue_dma source(%dma_start3A_244 : memref<328x128xi32, #tpu.memory_space<hbm>>) target(%arg9 : memref<328x128xi32, #tpu.memory_space<vmem>>) target_semaphore(%run_scoped3A : memref<!tpu.dma_semaphore, #tpu.memory_space<semaphore_mem>>)
      %dma_wait3A_245 = arith.constant 0 : i32
      %dma_wait3A_246 = arith.constant 0 : i32
      %dma_wait3A_247 = tpu.memref_slice %arg3[%add3A, %dma_wait3A_245, %dma_wait3A_246] : memref<32x328x128xi32, #tpu.memory_space<hbm>> -> memref<1x328x128xi32, #tpu.memory_space<hbm>>
      %dma_wait3A_248 = tpu.memref_squeeze %dma_wait3A_247 : memref<1x328x128xi32, #tpu.memory_space<hbm>> -> memref<328x128xi32, #tpu.memory_space<hbm>>
      %dma_wait3A_249 = arith.constant 0 : i32
      %dma_wait3A_250 = arith.constant 0 : i32
      %dma_wait3A_251 = tpu.memref_slice %arg3[%add3A, %dma_wait3A_249, %dma_wait3A_250] : memref<32x328x128xi32, #tpu.memory_space<hbm>> -> memref<1x328x128xi32, #tpu.memory_space<hbm>>
      %dma_wait3A_252 = tpu.memref_squeeze %dma_wait3A_251 : memref<1x328x128xi32, #tpu.memory_space<hbm>> -> memref<328x128xi32, #tpu.memory_space<hbm>>
      tpu.wait_dma2 semaphore(%run_scoped3A : memref<!tpu.dma_semaphore, #tpu.memory_space<semaphore_mem>>) src(%dma_wait3A_252 : memref<328x128xi32, #tpu.memory_space<hbm>>) dst(%arg9 : memref<328x128xi32, #tpu.memory_space<vmem>>)
      tpu.yield
    }) : () -> ()
    %mul3A_1 = arith.constant 32 : i32
    %mul3A_2 = arith.muli %add3A, %mul3A_1 : i32
    %scan3A = arith.constant 0 : i32
    %scan3A_3 = arith.constant 0 : i32
    %scan3A_4 = arith.constant 32 : i32
    %scan3A_5 = arith.addi %scan3A_3, %scan3A_4 : i32
    %scan3A_6 = arith.constant 1 : i32
    scf.for %scan3A_237 = %scan3A_3 to %scan3A_5 step %scan3A_6  : i32 {
      %rem3A = arith.constant 2 : i32
      %rem3A_238 = arith.remsi %scan3A_237, %rem3A : i32
      %ge3A = arith.constant 2 : i32
      %ge3A_239 = arith.cmpi sge, %scan3A_237, %ge3A : i32
      %convert_element_type3A = arith.extui %ge3A_239 : i1 to i32
      %cond3A = arith.constant 0 : i32
      %cond3A_240 = arith.cmpi ne, %convert_element_type3A, %cond3A : i32
      scf.if %cond3A_240 {
        %dma_wait3A_261 = arith.constant 0 : i32
        %dma_wait3A_262 = arith.constant 0 : i32
        %dma_wait3A_263 = arith.constant 0 : i32
        %dma_wait3A_264 = tpu.memref_slice %arg10[%rem3A_238, %dma_wait3A_261, %dma_wait3A_262, %dma_wait3A_263] : memref<2x1x128x128xf32, #tpu.memory_space<vmem>> -> memref<1x1x128x128xf32, #tpu.memory_space<vmem>>
        %dma_wait3A_265 = tpu.memref_squeeze %dma_wait3A_264 : memref<1x1x128x128xf32, #tpu.memory_space<vmem>> -> memref<1x128x128xf32, #tpu.memory_space<vmem>>
        %dma_wait3A_266 = arith.constant 0 : i32
        %dma_wait3A_267 = arith.constant 0 : i32
        %dma_wait3A_268 = tpu.memref_slice %arg6[%mul3A_2, %dma_wait3A_266, %dma_wait3A_267] : memref<1024x128x128xf32, #tpu.memory_space<hbm>> -> memref<1x128x128xf32, #tpu.memory_space<hbm>>
        %dma_wait3A_269 = arith.constant 0 : i32
        %dma_wait3A_270 = arith.constant 0 : i32
        %dma_wait3A_271 = tpu.memref_slice %arg6[%mul3A_2, %dma_wait3A_269, %dma_wait3A_270] : memref<1024x128x128xf32, #tpu.memory_space<hbm>> -> memref<1x128x128xf32, #tpu.memory_space<hbm>>
        %dma_wait3A_272 = arith.constant 0 : i32
        %dma_wait3A_273 = arith.constant 0 : i32
        %dma_wait3A_274 = arith.constant 0 : i32
        %dma_wait3A_275 = tpu.memref_slice %arg10[%rem3A_238, %dma_wait3A_272, %dma_wait3A_273, %dma_wait3A_274] : memref<2x1x128x128xf32, #tpu.memory_space<vmem>> -> memref<1x1x128x128xf32, #tpu.memory_space<vmem>>
        %dma_wait3A_276 = tpu.memref_squeeze %dma_wait3A_275 : memref<1x1x128x128xf32, #tpu.memory_space<vmem>> -> memref<1x128x128xf32, #tpu.memory_space<vmem>>
        tpu.wait_dma2 semaphore(%arg13 : memref<!tpu.dma_semaphore, #tpu.memory_space<semaphore_mem>>) src(%dma_wait3A_276 : memref<1x128x128xf32, #tpu.memory_space<vmem>>) dst(%dma_wait3A_271 : memref<1x128x128xf32, #tpu.memory_space<hbm>>)
      } else {
      }
      %mul3A_241 = arith.constant 1 : i32
      %mul3A_242 = arith.muli %scan3A_237, %mul3A_241 : i32
      %add3A_243 = arith.constant 0 : i32
      %add3A_244 = arith.addi %mul3A_242, %add3A_243 : i32
      %dma_start3A_245 = arith.constant 0 : i32
      %dma_start3A_246 = arith.constant 0 : i32
      %dma_start3A_247 = arith.constant 0 : i32
      %dma_start3A_248 = tpu.memref_slice %arg10[%rem3A_238, %dma_start3A_245, %dma_start3A_246, %dma_start3A_247] : memref<2x1x128x128xf32, #tpu.memory_space<vmem>> -> memref<1x1x128x128xf32, #tpu.memory_space<vmem>>
      %dma_start3A_249 = tpu.memref_squeeze %dma_start3A_248 : memref<1x1x128x128xf32, #tpu.memory_space<vmem>> -> memref<128x128xf32, #tpu.memory_space<vmem>>
      %dma_start3A_250 = arith.constant 0 : i32
      %dma_start3A_251 = tpu.memref_slice %arg8[%add3A_244, %dma_start3A_250] : memref<32x128xi32, #tpu.memory_space<vmem>> -> memref<1x128xi32, #tpu.memory_space<vmem>>
      %dma_start3A_252 = tpu.memref_squeeze %dma_start3A_251 : memref<1x128xi32, #tpu.memory_space<vmem>> -> memref<128xi32, #tpu.memory_space<vmem>>
      %dma_start3A_253 = arith.constant 0 : i32
      %dma_start3A_254 = arith.constant 0 : i32
      %dma_start3A_255 = tpu.memref_slice %arg4[%dma_start3A_253, %dma_start3A_254] : memref<1000000x128xf32, #tpu.memory_space<hbm>> -> memref<1000000x128xf32, #tpu.memory_space<hbm>>
      tpu.enqueue_indirect_dma source(%dma_start3A_255 : memref<1000000x128xf32, #tpu.memory_space<hbm>>) target(%dma_start3A_249 : memref<128x128xf32, #tpu.memory_space<vmem>>) offsets(%dma_start3A_252 : memref<128xi32, #tpu.memory_space<vmem>>) semaphore(%arg12 : memref<!tpu.dma_semaphore, #tpu.memory_space<semaphore_mem>>)
      %ge3A_256 = arith.constant 1 : i32
      %ge3A_257 = arith.cmpi sge, %scan3A_237, %ge3A_256 : i32
      %convert_element_type3A_258 = arith.extui %ge3A_257 : i1 to i32
      %cond3A_259 = arith.constant 0 : i32
      %cond3A_260 = arith.cmpi ne, %convert_element_type3A_258, %cond3A_259 : i32
      scf.if %cond3A_260 {
        %sub3A = arith.constant 1 : i32
        %sub3A_261 = arith.subi %sub3A, %rem3A_238 : i32
        %dma_wait3A_262 = arith.constant 0 : i32
        %dma_wait3A_263 = arith.constant 0 : i32
        %dma_wait3A_264 = arith.constant 0 : i32
        %dma_wait3A_265 = arith.constant 0 : i32
        %dma_wait3A_266 = tpu.memref_slice %arg10[%sub3A_261, %dma_wait3A_263, %dma_wait3A_264, %dma_wait3A_265] : memref<2x1x128x128xf32, #tpu.memory_space<vmem>> -> memref<1x1x128x128xf32, #tpu.memory_space<vmem>>
        %dma_wait3A_267 = tpu.memref_squeeze %dma_wait3A_266 : memref<1x1x128x128xf32, #tpu.memory_space<vmem>> -> memref<128x128xf32, #tpu.memory_space<vmem>>
        %dma_wait3A_268 = arith.constant 0 : i32
        %dma_wait3A_269 = tpu.memref_slice %arg8[%dma_wait3A_262, %dma_wait3A_268] : memref<32x128xi32, #tpu.memory_space<vmem>> -> memref<1x128xi32, #tpu.memory_space<vmem>>
        %dma_wait3A_270 = tpu.memref_squeeze %dma_wait3A_269 : memref<1x128xi32, #tpu.memory_space<vmem>> -> memref<128xi32, #tpu.memory_space<vmem>>
        %dma_wait3A_271 = arith.constant 0 : i32
        %dma_wait3A_272 = arith.constant 0 : i32
        %dma_wait3A_273 = tpu.memref_slice %arg4[%dma_wait3A_271, %dma_wait3A_272] : memref<1000000x128xf32, #tpu.memory_space<hbm>> -> memref<1000000x128xf32, #tpu.memory_space<hbm>>
        tpu.wait_indirect_dma semaphore(%arg12 : memref<!tpu.dma_semaphore, #tpu.memory_space<semaphore_mem>>) src(%dma_wait3A_273 : memref<1000000x128xf32, #tpu.memory_space<hbm>>) dst(%dma_wait3A_267 : memref<128x128xf32, #tpu.memory_space<vmem>>)
        %sub3A_274 = arith.constant 1 : i32
        %sub3A_275 = arith.subi %sub3A_274, %rem3A_238 : i32
        %sub3A_276 = arith.constant 1 : i32
        %sub3A_277 = arith.subi %scan3A_237, %sub3A_276 : i32
        %mul3A_278 = arith.constant 1 : i32
        %mul3A_279 = arith.muli %sub3A_277, %mul3A_278 : i32
        %add3A_280 = arith.addi %mul3A_2, %mul3A_279 : i32
        %dma_start3A_281 = arith.constant 0 : i32
        %dma_start3A_282 = arith.constant 0 : i32
        %dma_start3A_283 = arith.constant 0 : i32
        %dma_start3A_284 = tpu.memref_slice %arg10[%sub3A_275, %dma_start3A_281, %dma_start3A_282, %dma_start3A_283] : memref<2x1x128x128xf32, #tpu.memory_space<vmem>> -> memref<1x1x128x128xf32, #tpu.memory_space<vmem>>
        %dma_start3A_285 = tpu.memref_squeeze %dma_start3A_284 : memref<1x1x128x128xf32, #tpu.memory_space<vmem>> -> memref<1x128x128xf32, #tpu.memory_space<vmem>>
        %dma_start3A_286 = arith.constant 0 : i32
        %dma_start3A_287 = arith.constant 0 : i32
        %dma_start3A_288 = tpu.memref_slice %arg6[%add3A_280, %dma_start3A_286, %dma_start3A_287] : memref<1024x128x128xf32, #tpu.memory_space<hbm>> -> memref<1x128x128xf32, #tpu.memory_space<hbm>>
        %dma_start3A_289 = arith.constant 0 : i32
        %dma_start3A_290 = arith.constant 0 : i32
        %dma_start3A_291 = tpu.memref_slice %arg6[%add3A_280, %dma_start3A_289, %dma_start3A_290] : memref<1024x128x128xf32, #tpu.memory_space<hbm>> -> memref<1x128x128xf32, #tpu.memory_space<hbm>>
        %dma_start3A_292 = arith.constant 0 : i32
        %dma_start3A_293 = arith.constant 0 : i32
        %dma_start3A_294 = arith.constant 0 : i32
        %dma_start3A_295 = tpu.memref_slice %arg10[%sub3A_275, %dma_start3A_292, %dma_start3A_293, %dma_start3A_294] : memref<2x1x128x128xf32, #tpu.memory_space<vmem>> -> memref<1x1x128x128xf32, #tpu.memory_space<vmem>>
        %dma_start3A_296 = tpu.memref_squeeze %dma_start3A_295 : memref<1x1x128x128xf32, #tpu.memory_space<vmem>> -> memref<1x128x128xf32, #tpu.memory_space<vmem>>
        tpu.enqueue_dma source(%dma_start3A_296 : memref<1x128x128xf32, #tpu.memory_space<vmem>>) target(%dma_start3A_291 : memref<1x128x128xf32, #tpu.memory_space<hbm>>) target_semaphore(%arg13 : memref<!tpu.dma_semaphore, #tpu.memory_space<semaphore_mem>>)
      } else {
      }
    }
    %scan3A_7 = arith.constant 32 : i32
    %dma_wait3A = arith.constant 0 : i32
    %dma_wait3A_8 = arith.constant 1 : i32
    %dma_wait3A_9 = arith.constant 0 : i32
    %dma_wait3A_10 = arith.constant 0 : i32
    %dma_wait3A_11 = arith.constant 0 : i32
    %dma_wait3A_12 = tpu.memref_slice %arg10[%dma_wait3A_8, %dma_wait3A_9, %dma_wait3A_10, %dma_wait3A_11] : memref<2x1x128x128xf32, #tpu.memory_space<vmem>> -> memref<1x1x128x128xf32, #tpu.memory_space<vmem>>
    %dma_wait3A_13 = tpu.memref_squeeze %dma_wait3A_12 : memref<1x1x128x128xf32, #tpu.memory_space<vmem>> -> memref<128x128xf32, #tpu.memory_space<vmem>>
    %dma_wait3A_14 = arith.constant 0 : i32
    %dma_wait3A_15 = tpu.memref_slice %arg8[%dma_wait3A, %dma_wait3A_14] : memref<32x128xi32, #tpu.memory_space<vmem>> -> memref<1x128xi32, #tpu.memory_space<vmem>>
    %dma_wait3A_16 = tpu.memref_squeeze %dma_wait3A_15 : memref<1x128xi32, #tpu.memory_space<vmem>> -> memref<128xi32, #tpu.memory_space<vmem>>
    %dma_wait3A_17 = arith.constant 0 : i32
    %dma_wait3A_18 = arith.constant 0 : i32
    %dma_wait3A_19 = tpu.memref_slice %arg4[%dma_wait3A_17, %dma_wait3A_18] : memref<1000000x128xf32, #tpu.memory_space<hbm>> -> memref<1000000x128xf32, #tpu.memory_space<hbm>>
    tpu.wait_indirect_dma semaphore(%arg12 : memref<!tpu.dma_semaphore, #tpu.memory_space<semaphore_mem>>) src(%dma_wait3A_19 : memref<1000000x128xf32, #tpu.memory_space<hbm>>) dst(%dma_wait3A_13 : memref<128x128xf32, #tpu.memory_space<vmem>>)
    %add3A_20 = arith.constant 31 : i32
    %add3A_21 = arith.addi %mul3A_2, %add3A_20 : i32
    %dma_start3A = arith.constant 1 : i32
    %dma_start3A_22 = arith.constant 0 : i32
    %dma_start3A_23 = arith.constant 0 : i32
    %dma_start3A_24 = arith.constant 0 : i32
    %dma_start3A_25 = tpu.memref_slice %arg10[%dma_start3A, %dma_start3A_22, %dma_start3A_23, %dma_start3A_24] : memref<2x1x128x128xf32, #tpu.memory_space<vmem>> -> memref<1x1x128x128xf32, #tpu.memory_space<vmem>>
    %dma_start3A_26 = tpu.memref_squeeze %dma_start3A_25 : memref<1x1x128x128xf32, #tpu.memory_space<vmem>> -> memref<1x128x128xf32, #tpu.memory_space<vmem>>
    %dma_start3A_27 = arith.constant 0 : i32
    %dma_start3A_28 = arith.constant 0 : i32
    %dma_start3A_29 = tpu.memref_slice %arg6[%add3A_21, %dma_start3A_27, %dma_start3A_28] : memref<1024x128x128xf32, #tpu.memory_space<hbm>> -> memref<1x128x128xf32, #tpu.memory_space<hbm>>
    %dma_start3A_30 = arith.constant 0 : i32
    %dma_start3A_31 = arith.constant 0 : i32
    %dma_start3A_32 = tpu.memref_slice %arg6[%add3A_21, %dma_start3A_30, %dma_start3A_31] : memref<1024x128x128xf32, #tpu.memory_space<hbm>> -> memref<1x128x128xf32, #tpu.memory_space<hbm>>
    %dma_start3A_33 = arith.constant 0 : i32
    %dma_start3A_34 = arith.constant 0 : i32
    %dma_start3A_35 = arith.constant 0 : i32
    %dma_start3A_36 = tpu.memref_slice %arg10[%dma_start3A, %dma_start3A_33, %dma_start3A_34, %dma_start3A_35] : memref<2x1x128x128xf32, #tpu.memory_space<vmem>> -> memref<1x1x128x128xf32, #tpu.memory_space<vmem>>
    %dma_start3A_37 = tpu.memref_squeeze %dma_start3A_36 : memref<1x1x128x128xf32, #tpu.memory_space<vmem>> -> memref<1x128x128xf32, #tpu.memory_space<vmem>>
    tpu.enqueue_dma source(%dma_start3A_37 : memref<1x128x128xf32, #tpu.memory_space<vmem>>) target(%dma_start3A_32 : memref<1x128x128xf32, #tpu.memory_space<hbm>>) target_semaphore(%arg13 : memref<!tpu.dma_semaphore, #tpu.memory_space<semaphore_mem>>)
    %dma_wait3A_38 = arith.constant 0 : i32
    %dma_wait3A_39 = arith.constant 0 : i32
    %dma_wait3A_40 = arith.constant 0 : i32
    %dma_wait3A_41 = arith.constant 0 : i32
    %dma_wait3A_42 = tpu.memref_slice %arg10[%dma_wait3A_38, %dma_wait3A_39, %dma_wait3A_40, %dma_wait3A_41] : memref<2x1x128x128xf32, #tpu.memory_space<vmem>> -> memref<1x1x128x128xf32, #tpu.memory_space<vmem>>
    %dma_wait3A_43 = tpu.memref_squeeze %dma_wait3A_42 : memref<1x1x128x128xf32, #tpu.memory_space<vmem>> -> memref<1x128x128xf32, #tpu.memory_space<vmem>>
    %dma_wait3A_44 = arith.constant 0 : i32
    %dma_wait3A_45 = arith.constant 0 : i32
    %dma_wait3A_46 = tpu.memref_slice %arg6[%mul3A_2, %dma_wait3A_44, %dma_wait3A_45] : memref<1024x128x128xf32, #tpu.memory_space<hbm>> -> memref<1x128x128xf32, #tpu.memory_space<hbm>>
    %dma_wait3A_47 = arith.constant 0 : i32
    %dma_wait3A_48 = arith.constant 0 : i32
    %dma_wait3A_49 = tpu.memref_slice %arg6[%mul3A_2, %dma_wait3A_47, %dma_wait3A_48] : memref<1024x128x128xf32, #tpu.memory_space<hbm>> -> memref<1x128x128xf32, #tpu.memory_space<hbm>>
    %dma_wait3A_50 = arith.constant 0 : i32
    %dma_wait3A_51 = arith.constant 0 : i32
    %dma_wait3A_52 = arith.constant 0 : i32
    %dma_wait3A_53 = tpu.memref_slice %arg10[%dma_wait3A_38, %dma_wait3A_50, %dma_wait3A_51, %dma_wait3A_52] : memref<2x1x128x128xf32, #tpu.memory_space<vmem>> -> memref<1x1x128x128xf32, #tpu.memory_space<vmem>>
    %dma_wait3A_54 = tpu.memref_squeeze %dma_wait3A_53 : memref<1x1x128x128xf32, #tpu.memory_space<vmem>> -> memref<1x128x128xf32, #tpu.memory_space<vmem>>
    tpu.wait_dma2 semaphore(%arg13 : memref<!tpu.dma_semaphore, #tpu.memory_space<semaphore_mem>>) src(%dma_wait3A_54 : memref<1x128x128xf32, #tpu.memory_space<vmem>>) dst(%dma_wait3A_49 : memref<1x128x128xf32, #tpu.memory_space<hbm>>)
    %dma_wait3A_55 = arith.constant 1 : i32
    %dma_wait3A_56 = arith.constant 0 : i32
    %dma_wait3A_57 = arith.constant 0 : i32
    %dma_wait3A_58 = arith.constant 0 : i32
    %dma_wait3A_59 = tpu.memref_slice %arg10[%dma_wait3A_55, %dma_wait3A_56, %dma_wait3A_57, %dma_wait3A_58] : memref<2x1x128x128xf32, #tpu.memory_space<vmem>> -> memref<1x1x128x128xf32, #tpu.memory_space<vmem>>
    %dma_wait3A_60 = tpu.memref_squeeze %dma_wait3A_59 : memref<1x1x128x128xf32, #tpu.memory_space<vmem>> -> memref<1x128x128xf32, #tpu.memory_space<vmem>>
    %dma_wait3A_61 = arith.constant 0 : i32
    %dma_wait3A_62 = arith.constant 0 : i32
    %dma_wait3A_63 = tpu.memref_slice %arg6[%mul3A_2, %dma_wait3A_61, %dma_wait3A_62] : memref<1024x128x128xf32, #tpu.memory_space<hbm>> -> memref<1x128x128xf32, #tpu.memory_space<hbm>>
    %dma_wait3A_64 = arith.constant 0 : i32
    %dma_wait3A_65 = arith.constant 0 : i32
    %dma_wait3A_66 = tpu.memref_slice %arg6[%mul3A_2, %dma_wait3A_64, %dma_wait3A_65] : memref<1024x128x128xf32, #tpu.memory_space<hbm>> -> memref<1x128x128xf32, #tpu.memory_space<hbm>>
    %dma_wait3A_67 = arith.constant 0 : i32
    %dma_wait3A_68 = arith.constant 0 : i32
    %dma_wait3A_69 = arith.constant 0 : i32
    %dma_wait3A_70 = tpu.memref_slice %arg10[%dma_wait3A_55, %dma_wait3A_67, %dma_wait3A_68, %dma_wait3A_69] : memref<2x1x128x128xf32, #tpu.memory_space<vmem>> -> memref<1x1x128x128xf32, #tpu.memory_space<vmem>>
    %dma_wait3A_71 = tpu.memref_squeeze %dma_wait3A_70 : memref<1x1x128x128xf32, #tpu.memory_space<vmem>> -> memref<1x128x128xf32, #tpu.memory_space<vmem>>
    tpu.wait_dma2 semaphore(%arg13 : memref<!tpu.dma_semaphore, #tpu.memory_space<semaphore_mem>>) src(%dma_wait3A_71 : memref<1x128x128xf32, #tpu.memory_space<vmem>>) dst(%dma_wait3A_66 : memref<1x128x128xf32, #tpu.memory_space<hbm>>)
    %mul3A_72 = arith.constant 328 : i32
    %mul3A_73 = arith.muli %add3A, %mul3A_72 : i32
    %scan3A_74 = arith.constant 0 : i32
    %scan3A_75 = arith.constant 0 : i32
    %scan3A_76 = arith.constant 41 : i32
    %scan3A_77 = arith.addi %scan3A_75, %scan3A_76 : i32
    %scan3A_78 = arith.constant 1 : i32
    scf.for %scan3A_237 = %scan3A_75 to %scan3A_77 step %scan3A_78  : i32 {
      %rem3A = arith.constant 2 : i32
      %rem3A_238 = arith.remsi %scan3A_237, %rem3A : i32
      %ge3A = arith.constant 2 : i32
      %ge3A_239 = arith.cmpi sge, %scan3A_237, %ge3A : i32
      %convert_element_type3A = arith.extui %ge3A_239 : i1 to i32
      %cond3A = arith.constant 0 : i32
      %cond3A_240 = arith.cmpi ne, %convert_element_type3A, %cond3A : i32
      scf.if %cond3A_240 {
        %dma_wait3A_366 = arith.constant 0 : i32
        %dma_wait3A_367 = arith.constant 0 : i32
        %dma_wait3A_368 = arith.constant 0 : i32
        %dma_wait3A_369 = tpu.memref_slice %arg11[%rem3A_238, %dma_wait3A_366, %dma_wait3A_367, %dma_wait3A_368] : memref<2x8x128x16xf32, #tpu.memory_space<vmem>> -> memref<1x8x128x16xf32, #tpu.memory_space<vmem>>
        %dma_wait3A_370 = tpu.memref_squeeze %dma_wait3A_369 : memref<1x8x128x16xf32, #tpu.memory_space<vmem>> -> memref<8x128x16xf32, #tpu.memory_space<vmem>>
        %dma_wait3A_371 = arith.constant 0 : i32
        %dma_wait3A_372 = arith.constant 0 : i32
        %dma_wait3A_373 = tpu.memref_slice %arg7[%mul3A_73, %dma_wait3A_371, %dma_wait3A_372] : memref<10496x128x16xf32, #tpu.memory_space<hbm>> -> memref<8x128x16xf32, #tpu.memory_space<hbm>>
        %dma_wait3A_374 = arith.constant 0 : i32
        %dma_wait3A_375 = arith.constant 0 : i32
        %dma_wait3A_376 = tpu.memref_slice %arg7[%mul3A_73, %dma_wait3A_374, %dma_wait3A_375] : memref<10496x128x16xf32, #tpu.memory_space<hbm>> -> memref<8x128x16xf32, #tpu.memory_space<hbm>>
        %dma_wait3A_377 = arith.constant 0 : i32
        %dma_wait3A_378 = arith.constant 0 : i32
        %dma_wait3A_379 = arith.constant 0 : i32
        %dma_wait3A_380 = tpu.memref_slice %arg11[%rem3A_238, %dma_wait3A_377, %dma_wait3A_378, %dma_wait3A_379] : memref<2x8x128x16xf32, #tpu.memory_space<vmem>> -> memref<1x8x128x16xf32, #tpu.memory_space<vmem>>
        %dma_wait3A_381 = tpu.memref_squeeze %dma_wait3A_380 : memref<1x8x128x16xf32, #tpu.memory_space<vmem>> -> memref<8x128x16xf32, #tpu.memory_space<vmem>>
        tpu.wait_dma2 semaphore(%arg13 : memref<!tpu.dma_semaphore, #tpu.memory_space<semaphore_mem>>) src(%dma_wait3A_381 : memref<8x128x16xf32, #tpu.memory_space<vmem>>) dst(%dma_wait3A_376 : memref<8x128x16xf32, #tpu.memory_space<hbm>>)
      } else {
      }
      %mul3A_241 = arith.constant 8 : i32
      %mul3A_242 = arith.muli %scan3A_237, %mul3A_241 : i32
      %add3A_243 = arith.constant 0 : i32
      %add3A_244 = arith.addi %mul3A_242, %add3A_243 : i32
      %dma_start3A_245 = arith.constant 0 : i32
      %dma_start3A_246 = arith.constant 0 : i32
      %dma_start3A_247 = arith.constant 0 : i32
      %dma_start3A_248 = tpu.memref_slice %arg11[%rem3A_238, %dma_start3A_245, %dma_start3A_246, %dma_start3A_247] : memref<2x8x128x16xf32, #tpu.memory_space<vmem>> -> memref<1x1x128x16xf32, #tpu.memory_space<vmem>>
      %dma_start3A_249 = tpu.memref_squeeze %dma_start3A_248 : memref<1x1x128x16xf32, #tpu.memory_space<vmem>> -> memref<128x16xf32, #tpu.memory_space<vmem>>
      %dma_start3A_250 = arith.constant 0 : i32
      %dma_start3A_251 = tpu.memref_slice %arg9[%add3A_244, %dma_start3A_250] : memref<328x128xi32, #tpu.memory_space<vmem>> -> memref<1x128xi32, #tpu.memory_space<vmem>>
      %dma_start3A_252 = tpu.memref_squeeze %dma_start3A_251 : memref<1x128xi32, #tpu.memory_space<vmem>> -> memref<128xi32, #tpu.memory_space<vmem>>
      %dma_start3A_253 = arith.constant 0 : i32
      %dma_start3A_254 = arith.constant 0 : i32
      %dma_start3A_255 = tpu.memref_slice %arg5[%dma_start3A_253, %dma_start3A_254] : memref<1000000x16xf32, #tpu.memory_space<hbm>> -> memref<1000000x16xf32, #tpu.memory_space<hbm>>
      tpu.enqueue_indirect_dma source(%dma_start3A_255 : memref<1000000x16xf32, #tpu.memory_space<hbm>>) target(%dma_start3A_249 : memref<128x16xf32, #tpu.memory_space<vmem>>) offsets(%dma_start3A_252 : memref<128xi32, #tpu.memory_space<vmem>>) semaphore(%arg12 : memref<!tpu.dma_semaphore, #tpu.memory_space<semaphore_mem>>)
      %mul3A_256 = arith.constant 8 : i32
      %mul3A_257 = arith.muli %scan3A_237, %mul3A_256 : i32
      %add3A_258 = arith.constant 1 : i32
      %add3A_259 = arith.addi %mul3A_257, %add3A_258 : i32
      %dma_start3A_260 = arith.constant 1 : i32
      %dma_start3A_261 = arith.constant 0 : i32
      %dma_start3A_262 = arith.constant 0 : i32
      %dma_start3A_263 = tpu.memref_slice %arg11[%rem3A_238, %dma_start3A_260, %dma_start3A_261, %dma_start3A_262] : memref<2x8x128x16xf32, #tpu.memory_space<vmem>> -> memref<1x1x128x16xf32, #tpu.memory_space<vmem>>
      %dma_start3A_264 = tpu.memref_squeeze %dma_start3A_263 : memref<1x1x128x16xf32, #tpu.memory_space<vmem>> -> memref<128x16xf32, #tpu.memory_space<vmem>>
      %dma_start3A_265 = arith.constant 0 : i32
      %dma_start3A_266 = tpu.memref_slice %arg9[%add3A_259, %dma_start3A_265] : memref<328x128xi32, #tpu.memory_space<vmem>> -> memref<1x128xi32, #tpu.memory_space<vmem>>
      %dma_start3A_267 = tpu.memref_squeeze %dma_start3A_266 : memref<1x128xi32, #tpu.memory_space<vmem>> -> memref<128xi32, #tpu.memory_space<vmem>>
      %dma_start3A_268 = arith.constant 0 : i32
      %dma_start3A_269 = arith.constant 0 : i32
      %dma_start3A_270 = tpu.memref_slice %arg5[%dma_start3A_268, %dma_start3A_269] : memref<1000000x16xf32, #tpu.memory_space<hbm>> -> memref<1000000x16xf32, #tpu.memory_space<hbm>>
      tpu.enqueue_indirect_dma source(%dma_start3A_270 : memref<1000000x16xf32, #tpu.memory_space<hbm>>) target(%dma_start3A_264 : memref<128x16xf32, #tpu.memory_space<vmem>>) offsets(%dma_start3A_267 : memref<128xi32, #tpu.memory_space<vmem>>) semaphore(%arg12 : memref<!tpu.dma_semaphore, #tpu.memory_space<semaphore_mem>>)
      %mul3A_271 = arith.constant 8 : i32
      %mul3A_272 = arith.muli %scan3A_237, %mul3A_271 : i32
      %add3A_273 = arith.constant 2 : i32
      %add3A_274 = arith.addi %mul3A_272, %add3A_273 : i32
      %dma_start3A_275 = arith.constant 2 : i32
      %dma_start3A_276 = arith.constant 0 : i32
      %dma_start3A_277 = arith.constant 0 : i32
      %dma_start3A_278 = tpu.memref_slice %arg11[%rem3A_238, %dma_start3A_275, %dma_start3A_276, %dma_start3A_277] : memref<2x8x128x16xf32, #tpu.memory_space<vmem>> -> memref<1x1x128x16xf32, #tpu.memory_space<vmem>>
      %dma_start3A_279 = tpu.memref_squeeze %dma_start3A_278 : memref<1x1x128x16xf32, #tpu.memory_space<vmem>> -> memref<128x16xf32, #tpu.memory_space<vmem>>
      %dma_start3A_280 = arith.constant 0 : i32
      %dma_start3A_281 = tpu.memref_slice %arg9[%add3A_274, %dma_start3A_280] : memref<328x128xi32, #tpu.memory_space<vmem>> -> memref<1x128xi32, #tpu.memory_space<vmem>>
      %dma_start3A_282 = tpu.memref_squeeze %dma_start3A_281 : memref<1x128xi32, #tpu.memory_space<vmem>> -> memref<128xi32, #tpu.memory_space<vmem>>
      %dma_start3A_283 = arith.constant 0 : i32
      %dma_start3A_284 = arith.constant 0 : i32
      %dma_start3A_285 = tpu.memref_slice %arg5[%dma_start3A_283, %dma_start3A_284] : memref<1000000x16xf32, #tpu.memory_space<hbm>> -> memref<1000000x16xf32, #tpu.memory_space<hbm>>
      tpu.enqueue_indirect_dma source(%dma_start3A_285 : memref<1000000x16xf32, #tpu.memory_space<hbm>>) target(%dma_start3A_279 : memref<128x16xf32, #tpu.memory_space<vmem>>) offsets(%dma_start3A_282 : memref<128xi32, #tpu.memory_space<vmem>>) semaphore(%arg12 : memref<!tpu.dma_semaphore, #tpu.memory_space<semaphore_mem>>)
      %mul3A_286 = arith.constant 8 : i32
      %mul3A_287 = arith.muli %scan3A_237, %mul3A_286 : i32
      %add3A_288 = arith.constant 3 : i32
      %add3A_289 = arith.addi %mul3A_287, %add3A_288 : i32
      %dma_start3A_290 = arith.constant 3 : i32
      %dma_start3A_291 = arith.constant 0 : i32
      %dma_start3A_292 = arith.constant 0 : i32
      %dma_start3A_293 = tpu.memref_slice %arg11[%rem3A_238, %dma_start3A_290, %dma_start3A_291, %dma_start3A_292] : memref<2x8x128x16xf32, #tpu.memory_space<vmem>> -> memref<1x1x128x16xf32, #tpu.memory_space<vmem>>
      %dma_start3A_294 = tpu.memref_squeeze %dma_start3A_293 : memref<1x1x128x16xf32, #tpu.memory_space<vmem>> -> memref<128x16xf32, #tpu.memory_space<vmem>>
      %dma_start3A_295 = arith.constant 0 : i32
      %dma_start3A_296 = tpu.memref_slice %arg9[%add3A_289, %dma_start3A_295] : memref<328x128xi32, #tpu.memory_space<vmem>> -> memref<1x128xi32, #tpu.memory_space<vmem>>
      %dma_start3A_297 = tpu.memref_squeeze %dma_start3A_296 : memref<1x128xi32, #tpu.memory_space<vmem>> -> memref<128xi32, #tpu.memory_space<vmem>>
      %dma_start3A_298 = arith.constant 0 : i32
      %dma_start3A_299 = arith.constant 0 : i32
      %dma_start3A_300 = tpu.memref_slice %arg5[%dma_start3A_298, %dma_start3A_299] : memref<1000000x16xf32, #tpu.memory_space<hbm>> -> memref<1000000x16xf32, #tpu.memory_space<hbm>>
      tpu.enqueue_indirect_dma source(%dma_start3A_300 : memref<1000000x16xf32, #tpu.memory_space<hbm>>) target(%dma_start3A_294 : memref<128x16xf32, #tpu.memory_space<vmem>>) offsets(%dma_start3A_297 : memref<128xi32, #tpu.memory_space<vmem>>) semaphore(%arg12 : memref<!tpu.dma_semaphore, #tpu.memory_space<semaphore_mem>>)
      %mul3A_301 = arith.constant 8 : i32
      %mul3A_302 = arith.muli %scan3A_237, %mul3A_301 : i32
      %add3A_303 = arith.constant 4 : i32
      %add3A_304 = arith.addi %mul3A_302, %add3A_303 : i32
      %dma_start3A_305 = arith.constant 4 : i32
      %dma_start3A_306 = arith.constant 0 : i32
      %dma_start3A_307 = arith.constant 0 : i32
      %dma_start3A_308 = tpu.memref_slice %arg11[%rem3A_238, %dma_start3A_305, %dma_start3A_306, %dma_start3A_307] : memref<2x8x128x16xf32, #tpu.memory_space<vmem>> -> memref<1x1x128x16xf32, #tpu.memory_space<vmem>>
      %dma_start3A_309 = tpu.memref_squeeze %dma_start3A_308 : memref<1x1x128x16xf32, #tpu.memory_space<vmem>> -> memref<128x16xf32, #tpu.memory_space<vmem>>
      %dma_start3A_310 = arith.constant 0 : i32
      %dma_start3A_311 = tpu.memref_slice %arg9[%add3A_304, %dma_start3A_310] : memref<328x128xi32, #tpu.memory_space<vmem>> -> memref<1x128xi32, #tpu.memory_space<vmem>>
      %dma_start3A_312 = tpu.memref_squeeze %dma_start3A_311 : memref<1x128xi32, #tpu.memory_space<vmem>> -> memref<128xi32, #tpu.memory_space<vmem>>
      %dma_start3A_313 = arith.constant 0 : i32
      %dma_start3A_314 = arith.constant 0 : i32
      %dma_start3A_315 = tpu.memref_slice %arg5[%dma_start3A_313, %dma_start3A_314] : memref<1000000x16xf32, #tpu.memory_space<hbm>> -> memref<1000000x16xf32, #tpu.memory_space<hbm>>
      tpu.enqueue_indirect_dma source(%dma_start3A_315 : memref<1000000x16xf32, #tpu.memory_space<hbm>>) target(%dma_start3A_309 : memref<128x16xf32, #tpu.memory_space<vmem>>) offsets(%dma_start3A_312 : memref<128xi32, #tpu.memory_space<vmem>>) semaphore(%arg12 : memref<!tpu.dma_semaphore, #tpu.memory_space<semaphore_mem>>)
      %mul3A_316 = arith.constant 8 : i32
      %mul3A_317 = arith.muli %scan3A_237, %mul3A_316 : i32
      %add3A_318 = arith.constant 5 : i32
      %add3A_319 = arith.addi %mul3A_317, %add3A_318 : i32
      %dma_start3A_320 = arith.constant 5 : i32
      %dma_start3A_321 = arith.constant 0 : i32
      %dma_start3A_322 = arith.constant 0 : i32
      %dma_start3A_323 = tpu.memref_slice %arg11[%rem3A_238, %dma_start3A_320, %dma_start3A_321, %dma_start3A_322] : memref<2x8x128x16xf32, #tpu.memory_space<vmem>> -> memref<1x1x128x16xf32, #tpu.memory_space<vmem>>
      %dma_start3A_324 = tpu.memref_squeeze %dma_start3A_323 : memref<1x1x128x16xf32, #tpu.memory_space<vmem>> -> memref<128x16xf32, #tpu.memory_space<vmem>>
      %dma_start3A_325 = arith.constant 0 : i32
      %dma_start3A_326 = tpu.memref_slice %arg9[%add3A_319, %dma_start3A_325] : memref<328x128xi32, #tpu.memory_space<vmem>> -> memref<1x128xi32, #tpu.memory_space<vmem>>
      %dma_start3A_327 = tpu.memref_squeeze %dma_start3A_326 : memref<1x128xi32, #tpu.memory_space<vmem>> -> memref<128xi32, #tpu.memory_space<vmem>>
      %dma_start3A_328 = arith.constant 0 : i32
      %dma_start3A_329 = arith.constant 0 : i32
      %dma_start3A_330 = tpu.memref_slice %arg5[%dma_start3A_328, %dma_start3A_329] : memref<1000000x16xf32, #tpu.memory_space<hbm>> -> memref<1000000x16xf32, #tpu.memory_space<hbm>>
      tpu.enqueue_indirect_dma source(%dma_start3A_330 : memref<1000000x16xf32, #tpu.memory_space<hbm>>) target(%dma_start3A_324 : memref<128x16xf32, #tpu.memory_space<vmem>>) offsets(%dma_start3A_327 : memref<128xi32, #tpu.memory_space<vmem>>) semaphore(%arg12 : memref<!tpu.dma_semaphore, #tpu.memory_space<semaphore_mem>>)
      %mul3A_331 = arith.constant 8 : i32
      %mul3A_332 = arith.muli %scan3A_237, %mul3A_331 : i32
      %add3A_333 = arith.constant 6 : i32
      %add3A_334 = arith.addi %mul3A_332, %add3A_333 : i32
      %dma_start3A_335 = arith.constant 6 : i32
      %dma_start3A_336 = arith.constant 0 : i32
      %dma_start3A_337 = arith.constant 0 : i32
      %dma_start3A_338 = tpu.memref_slice %arg11[%rem3A_238, %dma_start3A_335, %dma_start3A_336, %dma_start3A_337] : memref<2x8x128x16xf32, #tpu.memory_space<vmem>> -> memref<1x1x128x16xf32, #tpu.memory_space<vmem>>
      %dma_start3A_339 = tpu.memref_squeeze %dma_start3A_338 : memref<1x1x128x16xf32, #tpu.memory_space<vmem>> -> memref<128x16xf32, #tpu.memory_space<vmem>>
      %dma_start3A_340 = arith.constant 0 : i32
      %dma_start3A_341 = tpu.memref_slice %arg9[%add3A_334, %dma_start3A_340] : memref<328x128xi32, #tpu.memory_space<vmem>> -> memref<1x128xi32, #tpu.memory_space<vmem>>
      %dma_start3A_342 = tpu.memref_squeeze %dma_start3A_341 : memref<1x128xi32, #tpu.memory_space<vmem>> -> memref<128xi32, #tpu.memory_space<vmem>>
      %dma_start3A_343 = arith.constant 0 : i32
      %dma_start3A_344 = arith.constant 0 : i32
      %dma_start3A_345 = tpu.memref_slice %arg5[%dma_start3A_343, %dma_start3A_344] : memref<1000000x16xf32, #tpu.memory_space<hbm>> -> memref<1000000x16xf32, #tpu.memory_space<hbm>>
      tpu.enqueue_indirect_dma source(%dma_start3A_345 : memref<1000000x16xf32, #tpu.memory_space<hbm>>) target(%dma_start3A_339 : memref<128x16xf32, #tpu.memory_space<vmem>>) offsets(%dma_start3A_342 : memref<128xi32, #tpu.memory_space<vmem>>) semaphore(%arg12 : memref<!tpu.dma_semaphore, #tpu.memory_space<semaphore_mem>>)
      %mul3A_346 = arith.constant 8 : i32
      %mul3A_347 = arith.muli %scan3A_237, %mul3A_346 : i32
      %add3A_348 = arith.constant 7 : i32
      %add3A_349 = arith.addi %mul3A_347, %add3A_348 : i32
      %dma_start3A_350 = arith.constant 7 : i32
      %dma_start3A_351 = arith.constant 0 : i32
      %dma_start3A_352 = arith.constant 0 : i32
      %dma_start3A_353 = tpu.memref_slice %arg11[%rem3A_238, %dma_start3A_350, %dma_start3A_351, %dma_start3A_352] : memref<2x8x128x16xf32, #tpu.memory_space<vmem>> -> memref<1x1x128x16xf32, #tpu.memory_space<vmem>>
      %dma_start3A_354 = tpu.memref_squeeze %dma_start3A_353 : memref<1x1x128x16xf32, #tpu.memory_space<vmem>> -> memref<128x16xf32, #tpu.memory_space<vmem>>
      %dma_start3A_355 = arith.constant 0 : i32
      %dma_start3A_356 = tpu.memref_slice %arg9[%add3A_349, %dma_start3A_355] : memref<328x128xi32, #tpu.memory_space<vmem>> -> memref<1x128xi32, #tpu.memory_space<vmem>>
      %dma_start3A_357 = tpu.memref_squeeze %dma_start3A_356 : memref<1x128xi32, #tpu.memory_space<vmem>> -> memref<128xi32, #tpu.memory_space<vmem>>
      %dma_start3A_358 = arith.constant 0 : i32
      %dma_start3A_359 = arith.constant 0 : i32
      %dma_start3A_360 = tpu.memref_slice %arg5[%dma_start3A_358, %dma_start3A_359] : memref<1000000x16xf32, #tpu.memory_space<hbm>> -> memref<1000000x16xf32, #tpu.memory_space<hbm>>
      tpu.enqueue_indirect_dma source(%dma_start3A_360 : memref<1000000x16xf32, #tpu.memory_space<hbm>>) target(%dma_start3A_354 : memref<128x16xf32, #tpu.memory_space<vmem>>) offsets(%dma_start3A_357 : memref<128xi32, #tpu.memory_space<vmem>>) semaphore(%arg12 : memref<!tpu.dma_semaphore, #tpu.memory_space<semaphore_mem>>)
      %ge3A_361 = arith.constant 1 : i32
      %ge3A_362 = arith.cmpi sge, %scan3A_237, %ge3A_361 : i32
      %convert_element_type3A_363 = arith.extui %ge3A_362 : i1 to i32
      %cond3A_364 = arith.constant 0 : i32
      %cond3A_365 = arith.cmpi ne, %convert_element_type3A_363, %cond3A_364 : i32
      scf.if %cond3A_365 {
        %sub3A = arith.constant 1 : i32
        %sub3A_366 = arith.subi %sub3A, %rem3A_238 : i32
        %dma_wait3A_367 = arith.constant 0 : i32
        %dma_wait3A_368 = arith.constant 0 : i32
        %dma_wait3A_369 = arith.constant 0 : i32
        %dma_wait3A_370 = arith.constant 0 : i32
        %dma_wait3A_371 = tpu.memref_slice %arg11[%sub3A_366, %dma_wait3A_368, %dma_wait3A_369, %dma_wait3A_370] : memref<2x8x128x16xf32, #tpu.memory_space<vmem>> -> memref<1x1x128x16xf32, #tpu.memory_space<vmem>>
        %dma_wait3A_372 = tpu.memref_squeeze %dma_wait3A_371 : memref<1x1x128x16xf32, #tpu.memory_space<vmem>> -> memref<128x16xf32, #tpu.memory_space<vmem>>
        %dma_wait3A_373 = arith.constant 0 : i32
        %dma_wait3A_374 = tpu.memref_slice %arg9[%dma_wait3A_367, %dma_wait3A_373] : memref<328x128xi32, #tpu.memory_space<vmem>> -> memref<1x128xi32, #tpu.memory_space<vmem>>
        %dma_wait3A_375 = tpu.memref_squeeze %dma_wait3A_374 : memref<1x128xi32, #tpu.memory_space<vmem>> -> memref<128xi32, #tpu.memory_space<vmem>>
        %dma_wait3A_376 = arith.constant 0 : i32
        %dma_wait3A_377 = arith.constant 0 : i32
        %dma_wait3A_378 = tpu.memref_slice %arg5[%dma_wait3A_376, %dma_wait3A_377] : memref<1000000x16xf32, #tpu.memory_space<hbm>> -> memref<1000000x16xf32, #tpu.memory_space<hbm>>
        tpu.wait_indirect_dma semaphore(%arg12 : memref<!tpu.dma_semaphore, #tpu.memory_space<semaphore_mem>>) src(%dma_wait3A_378 : memref<1000000x16xf32, #tpu.memory_space<hbm>>) dst(%dma_wait3A_372 : memref<128x16xf32, #tpu.memory_space<vmem>>)
        %dma_wait3A_379 = arith.constant 0 : i32
        %dma_wait3A_380 = arith.constant 1 : i32
        %dma_wait3A_381 = arith.constant 0 : i32
        %dma_wait3A_382 = arith.constant 0 : i32
        %dma_wait3A_383 = tpu.memref_slice %arg11[%sub3A_366, %dma_wait3A_380, %dma_wait3A_381, %dma_wait3A_382] : memref<2x8x128x16xf32, #tpu.memory_space<vmem>> -> memref<1x1x128x16xf32, #tpu.memory_space<vmem>>
        %dma_wait3A_384 = tpu.memref_squeeze %dma_wait3A_383 : memref<1x1x128x16xf32, #tpu.memory_space<vmem>> -> memref<128x16xf32, #tpu.memory_space<vmem>>
        %dma_wait3A_385 = arith.constant 0 : i32
        %dma_wait3A_386 = tpu.memref_slice %arg9[%dma_wait3A_379, %dma_wait3A_385] : memref<328x128xi32, #tpu.memory_space<vmem>> -> memref<1x128xi32, #tpu.memory_space<vmem>>
        %dma_wait3A_387 = tpu.memref_squeeze %dma_wait3A_386 : memref<1x128xi32, #tpu.memory_space<vmem>> -> memref<128xi32, #tpu.memory_space<vmem>>
        %dma_wait3A_388 = arith.constant 0 : i32
        %dma_wait3A_389 = arith.constant 0 : i32
        %dma_wait3A_390 = tpu.memref_slice %arg5[%dma_wait3A_388, %dma_wait3A_389] : memref<1000000x16xf32, #tpu.memory_space<hbm>> -> memref<1000000x16xf32, #tpu.memory_space<hbm>>
        tpu.wait_indirect_dma semaphore(%arg12 : memref<!tpu.dma_semaphore, #tpu.memory_space<semaphore_mem>>) src(%dma_wait3A_390 : memref<1000000x16xf32, #tpu.memory_space<hbm>>) dst(%dma_wait3A_384 : memref<128x16xf32, #tpu.memory_space<vmem>>)
        %dma_wait3A_391 = arith.constant 0 : i32
        %dma_wait3A_392 = arith.constant 2 : i32
        %dma_wait3A_393 = arith.constant 0 : i32
        %dma_wait3A_394 = arith.constant 0 : i32
        %dma_wait3A_395 = tpu.memref_slice %arg11[%sub3A_366, %dma_wait3A_392, %dma_wait3A_393, %dma_wait3A_394] : memref<2x8x128x16xf32, #tpu.memory_space<vmem>> -> memref<1x1x128x16xf32, #tpu.memory_space<vmem>>
        %dma_wait3A_396 = tpu.memref_squeeze %dma_wait3A_395 : memref<1x1x128x16xf32, #tpu.memory_space<vmem>> -> memref<128x16xf32, #tpu.memory_space<vmem>>
        %dma_wait3A_397 = arith.constant 0 : i32
        %dma_wait3A_398 = tpu.memref_slice %arg9[%dma_wait3A_391, %dma_wait3A_397] : memref<328x128xi32, #tpu.memory_space<vmem>> -> memref<1x128xi32, #tpu.memory_space<vmem>>
        %dma_wait3A_399 = tpu.memref_squeeze %dma_wait3A_398 : memref<1x128xi32, #tpu.memory_space<vmem>> -> memref<128xi32, #tpu.memory_space<vmem>>
        %dma_wait3A_400 = arith.constant 0 : i32
        %dma_wait3A_401 = arith.constant 0 : i32
        %dma_wait3A_402 = tpu.memref_slice %arg5[%dma_wait3A_400, %dma_wait3A_401] : memref<1000000x16xf32, #tpu.memory_space<hbm>> -> memref<1000000x16xf32, #tpu.memory_space<hbm>>
        tpu.wait_indirect_dma semaphore(%arg12 : memref<!tpu.dma_semaphore, #tpu.memory_space<semaphore_mem>>) src(%dma_wait3A_402 : memref<1000000x16xf32, #tpu.memory_space<hbm>>) dst(%dma_wait3A_396 : memref<128x16xf32, #tpu.memory_space<vmem>>)
        %dma_wait3A_403 = arith.constant 0 : i32
        %dma_wait3A_404 = arith.constant 3 : i32
        %dma_wait3A_405 = arith.constant 0 : i32
        %dma_wait3A_406 = arith.constant 0 : i32
        %dma_wait3A_407 = tpu.memref_slice %arg11[%sub3A_366, %dma_wait3A_404, %dma_wait3A_405, %dma_wait3A_406] : memref<2x8x128x16xf32, #tpu.memory_space<vmem>> -> memref<1x1x128x16xf32, #tpu.memory_space<vmem>>
        %dma_wait3A_408 = tpu.memref_squeeze %dma_wait3A_407 : memref<1x1x128x16xf32, #tpu.memory_space<vmem>> -> memref<128x16xf32, #tpu.memory_space<vmem>>
        %dma_wait3A_409 = arith.constant 0 : i32
        %dma_wait3A_410 = tpu.memref_slice %arg9[%dma_wait3A_403, %dma_wait3A_409] : memref<328x128xi32, #tpu.memory_space<vmem>> -> memref<1x128xi32, #tpu.memory_space<vmem>>
        %dma_wait3A_411 = tpu.memref_squeeze %dma_wait3A_410 : memref<1x128xi32, #tpu.memory_space<vmem>> -> memref<128xi32, #tpu.memory_space<vmem>>
        %dma_wait3A_412 = arith.constant 0 : i32
        %dma_wait3A_413 = arith.constant 0 : i32
        %dma_wait3A_414 = tpu.memref_slice %arg5[%dma_wait3A_412, %dma_wait3A_413] : memref<1000000x16xf32, #tpu.memory_space<hbm>> -> memref<1000000x16xf32, #tpu.memory_space<hbm>>
        tpu.wait_indirect_dma semaphore(%arg12 : memref<!tpu.dma_semaphore, #tpu.memory_space<semaphore_mem>>) src(%dma_wait3A_414 : memref<1000000x16xf32, #tpu.memory_space<hbm>>) dst(%dma_wait3A_408 : memref<128x16xf32, #tpu.memory_space<vmem>>)
        %dma_wait3A_415 = arith.constant 0 : i32
        %dma_wait3A_416 = arith.constant 4 : i32
        %dma_wait3A_417 = arith.constant 0 : i32
        %dma_wait3A_418 = arith.constant 0 : i32
        %dma_wait3A_419 = tpu.memref_slice %arg11[%sub3A_366, %dma_wait3A_416, %dma_wait3A_417, %dma_wait3A_418] : memref<2x8x128x16xf32, #tpu.memory_space<vmem>> -> memref<1x1x128x16xf32, #tpu.memory_space<vmem>>
        %dma_wait3A_420 = tpu.memref_squeeze %dma_wait3A_419 : memref<1x1x128x16xf32, #tpu.memory_space<vmem>> -> memref<128x16xf32, #tpu.memory_space<vmem>>
        %dma_wait3A_421 = arith.constant 0 : i32
        %dma_wait3A_422 = tpu.memref_slice %arg9[%dma_wait3A_415, %dma_wait3A_421] : memref<328x128xi32, #tpu.memory_space<vmem>> -> memref<1x128xi32, #tpu.memory_space<vmem>>
        %dma_wait3A_423 = tpu.memref_squeeze %dma_wait3A_422 : memref<1x128xi32, #tpu.memory_space<vmem>> -> memref<128xi32, #tpu.memory_space<vmem>>
        %dma_wait3A_424 = arith.constant 0 : i32
        %dma_wait3A_425 = arith.constant 0 : i32
        %dma_wait3A_426 = tpu.memref_slice %arg5[%dma_wait3A_424, %dma_wait3A_425] : memref<1000000x16xf32, #tpu.memory_space<hbm>> -> memref<1000000x16xf32, #tpu.memory_space<hbm>>
        tpu.wait_indirect_dma semaphore(%arg12 : memref<!tpu.dma_semaphore, #tpu.memory_space<semaphore_mem>>) src(%dma_wait3A_426 : memref<1000000x16xf32, #tpu.memory_space<hbm>>) dst(%dma_wait3A_420 : memref<128x16xf32, #tpu.memory_space<vmem>>)
        %dma_wait3A_427 = arith.constant 0 : i32
        %dma_wait3A_428 = arith.constant 5 : i32
        %dma_wait3A_429 = arith.constant 0 : i32
        %dma_wait3A_430 = arith.constant 0 : i32
        %dma_wait3A_431 = tpu.memref_slice %arg11[%sub3A_366, %dma_wait3A_428, %dma_wait3A_429, %dma_wait3A_430] : memref<2x8x128x16xf32, #tpu.memory_space<vmem>> -> memref<1x1x128x16xf32, #tpu.memory_space<vmem>>
        %dma_wait3A_432 = tpu.memref_squeeze %dma_wait3A_431 : memref<1x1x128x16xf32, #tpu.memory_space<vmem>> -> memref<128x16xf32, #tpu.memory_space<vmem>>
        %dma_wait3A_433 = arith.constant 0 : i32
        %dma_wait3A_434 = tpu.memref_slice %arg9[%dma_wait3A_427, %dma_wait3A_433] : memref<328x128xi32, #tpu.memory_space<vmem>> -> memref<1x128xi32, #tpu.memory_space<vmem>>
        %dma_wait3A_435 = tpu.memref_squeeze %dma_wait3A_434 : memref<1x128xi32, #tpu.memory_space<vmem>> -> memref<128xi32, #tpu.memory_space<vmem>>
        %dma_wait3A_436 = arith.constant 0 : i32
        %dma_wait3A_437 = arith.constant 0 : i32
        %dma_wait3A_438 = tpu.memref_slice %arg5[%dma_wait3A_436, %dma_wait3A_437] : memref<1000000x16xf32, #tpu.memory_space<hbm>> -> memref<1000000x16xf32, #tpu.memory_space<hbm>>
        tpu.wait_indirect_dma semaphore(%arg12 : memref<!tpu.dma_semaphore, #tpu.memory_space<semaphore_mem>>) src(%dma_wait3A_438 : memref<1000000x16xf32, #tpu.memory_space<hbm>>) dst(%dma_wait3A_432 : memref<128x16xf32, #tpu.memory_space<vmem>>)
        %dma_wait3A_439 = arith.constant 0 : i32
        %dma_wait3A_440 = arith.constant 6 : i32
        %dma_wait3A_441 = arith.constant 0 : i32
        %dma_wait3A_442 = arith.constant 0 : i32
        %dma_wait3A_443 = tpu.memref_slice %arg11[%sub3A_366, %dma_wait3A_440, %dma_wait3A_441, %dma_wait3A_442] : memref<2x8x128x16xf32, #tpu.memory_space<vmem>> -> memref<1x1x128x16xf32, #tpu.memory_space<vmem>>
        %dma_wait3A_444 = tpu.memref_squeeze %dma_wait3A_443 : memref<1x1x128x16xf32, #tpu.memory_space<vmem>> -> memref<128x16xf32, #tpu.memory_space<vmem>>
        %dma_wait3A_445 = arith.constant 0 : i32
        %dma_wait3A_446 = tpu.memref_slice %arg9[%dma_wait3A_439, %dma_wait3A_445] : memref<328x128xi32, #tpu.memory_space<vmem>> -> memref<1x128xi32, #tpu.memory_space<vmem>>
        %dma_wait3A_447 = tpu.memref_squeeze %dma_wait3A_446 : memref<1x128xi32, #tpu.memory_space<vmem>> -> memref<128xi32, #tpu.memory_space<vmem>>
        %dma_wait3A_448 = arith.constant 0 : i32
        %dma_wait3A_449 = arith.constant 0 : i32
        %dma_wait3A_450 = tpu.memref_slice %arg5[%dma_wait3A_448, %dma_wait3A_449] : memref<1000000x16xf32, #tpu.memory_space<hbm>> -> memref<1000000x16xf32, #tpu.memory_space<hbm>>
        tpu.wait_indirect_dma semaphore(%arg12 : memref<!tpu.dma_semaphore, #tpu.memory_space<semaphore_mem>>) src(%dma_wait3A_450 : memref<1000000x16xf32, #tpu.memory_space<hbm>>) dst(%dma_wait3A_444 : memref<128x16xf32, #tpu.memory_space<vmem>>)
        %dma_wait3A_451 = arith.constant 0 : i32
        %dma_wait3A_452 = arith.constant 7 : i32
        %dma_wait3A_453 = arith.constant 0 : i32
        %dma_wait3A_454 = arith.constant 0 : i32
        %dma_wait3A_455 = tpu.memref_slice %arg11[%sub3A_366, %dma_wait3A_452, %dma_wait3A_453, %dma_wait3A_454] : memref<2x8x128x16xf32, #tpu.memory_space<vmem>> -> memref<1x1x128x16xf32, #tpu.memory_space<vmem>>
        %dma_wait3A_456 = tpu.memref_squeeze %dma_wait3A_455 : memref<1x1x128x16xf32, #tpu.memory_space<vmem>> -> memref<128x16xf32, #tpu.memory_space<vmem>>
        %dma_wait3A_457 = arith.constant 0 : i32
        %dma_wait3A_458 = tpu.memref_slice %arg9[%dma_wait3A_451, %dma_wait3A_457] : memref<328x128xi32, #tpu.memory_space<vmem>> -> memref<1x128xi32, #tpu.memory_space<vmem>>
        %dma_wait3A_459 = tpu.memref_squeeze %dma_wait3A_458 : memref<1x128xi32, #tpu.memory_space<vmem>> -> memref<128xi32, #tpu.memory_space<vmem>>
        %dma_wait3A_460 = arith.constant 0 : i32
        %dma_wait3A_461 = arith.constant 0 : i32
        %dma_wait3A_462 = tpu.memref_slice %arg5[%dma_wait3A_460, %dma_wait3A_461] : memref<1000000x16xf32, #tpu.memory_space<hbm>> -> memref<1000000x16xf32, #tpu.memory_space<hbm>>
        tpu.wait_indirect_dma semaphore(%arg12 : memref<!tpu.dma_semaphore, #tpu.memory_space<semaphore_mem>>) src(%dma_wait3A_462 : memref<1000000x16xf32, #tpu.memory_space<hbm>>) dst(%dma_wait3A_456 : memref<128x16xf32, #tpu.memory_space<vmem>>)
        %sub3A_463 = arith.constant 1 : i32
        %sub3A_464 = arith.subi %sub3A_463, %rem3A_238 : i32
        %sub3A_465 = arith.constant 1 : i32
        %sub3A_466 = arith.subi %scan3A_237, %sub3A_465 : i32
        %mul3A_467 = arith.constant 8 : i32
        %mul3A_468 = arith.muli %sub3A_466, %mul3A_467 : i32
        %add3A_469 = arith.addi %mul3A_73, %mul3A_468 : i32
        %dma_start3A_470 = arith.constant 0 : i32
        %dma_start3A_471 = arith.constant 0 : i32
        %dma_start3A_472 = arith.constant 0 : i32
        %dma_start3A_473 = tpu.memref_slice %arg11[%sub3A_464, %dma_start3A_470, %dma_start3A_471, %dma_start3A_472] : memref<2x8x128x16xf32, #tpu.memory_space<vmem>> -> memref<1x8x128x16xf32, #tpu.memory_space<vmem>>
        %dma_start3A_474 = tpu.memref_squeeze %dma_start3A_473 : memref<1x8x128x16xf32, #tpu.memory_space<vmem>> -> memref<8x128x16xf32, #tpu.memory_space<vmem>>
        %dma_start3A_475 = arith.constant 0 : i32
        %dma_start3A_476 = arith.constant 0 : i32
        %dma_start3A_477 = tpu.memref_slice %arg7[%add3A_469, %dma_start3A_475, %dma_start3A_476] : memref<10496x128x16xf32, #tpu.memory_space<hbm>> -> memref<8x128x16xf32, #tpu.memory_space<hbm>>
        %dma_start3A_478 = arith.constant 0 : i32
        %dma_start3A_479 = arith.constant 0 : i32
        %dma_start3A_480 = tpu.memref_slice %arg7[%add3A_469, %dma_start3A_478, %dma_start3A_479] : memref<10496x128x16xf32, #tpu.memory_space<hbm>> -> memref<8x128x16xf32, #tpu.memory_space<hbm>>
        %dma_start3A_481 = arith.constant 0 : i32
        %dma_start3A_482 = arith.constant 0 : i32
        %dma_start3A_483 = arith.constant 0 : i32
        %dma_start3A_484 = tpu.memref_slice %arg11[%sub3A_464, %dma_start3A_481, %dma_start3A_482, %dma_start3A_483] : memref<2x8x128x16xf32, #tpu.memory_space<vmem>> -> memref<1x8x128x16xf32, #tpu.memory_space<vmem>>
        %dma_start3A_485 = tpu.memref_squeeze %dma_start3A_484 : memref<1x8x128x16xf32, #tpu.memory_space<vmem>> -> memref<8x128x16xf32, #tpu.memory_space<vmem>>
        tpu.enqueue_dma source(%dma_start3A_485 : memref<8x128x16xf32, #tpu.memory_space<vmem>>) target(%dma_start3A_480 : memref<8x128x16xf32, #tpu.memory_space<hbm>>) target_semaphore(%arg13 : memref<!tpu.dma_semaphore, #tpu.memory_space<semaphore_mem>>)
      } else {
      }
    }
    %scan3A_79 = arith.constant 41 : i32
    %dma_wait3A_80 = arith.constant 0 : i32
    %dma_wait3A_81 = arith.constant 0 : i32
    %dma_wait3A_82 = arith.constant 0 : i32
    %dma_wait3A_83 = arith.constant 0 : i32
    %dma_wait3A_84 = arith.constant 0 : i32
    %dma_wait3A_85 = tpu.memref_slice %arg11[%dma_wait3A_81, %dma_wait3A_82, %dma_wait3A_83, %dma_wait3A_84] : memref<2x8x128x16xf32, #tpu.memory_space<vmem>> -> memref<1x1x128x16xf32, #tpu.memory_space<vmem>>
    %dma_wait3A_86 = tpu.memref_squeeze %dma_wait3A_85 : memref<1x1x128x16xf32, #tpu.memory_space<vmem>> -> memref<128x16xf32, #tpu.memory_space<vmem>>
    %dma_wait3A_87 = arith.constant 0 : i32
    %dma_wait3A_88 = tpu.memref_slice %arg9[%dma_wait3A_80, %dma_wait3A_87] : memref<328x128xi32, #tpu.memory_space<vmem>> -> memref<1x128xi32, #tpu.memory_space<vmem>>
    %dma_wait3A_89 = tpu.memref_squeeze %dma_wait3A_88 : memref<1x128xi32, #tpu.memory_space<vmem>> -> memref<128xi32, #tpu.memory_space<vmem>>
    %dma_wait3A_90 = arith.constant 0 : i32
    %dma_wait3A_91 = arith.constant 0 : i32
    %dma_wait3A_92 = tpu.memref_slice %arg5[%dma_wait3A_90, %dma_wait3A_91] : memref<1000000x16xf32, #tpu.memory_space<hbm>> -> memref<1000000x16xf32, #tpu.memory_space<hbm>>
    tpu.wait_indirect_dma semaphore(%arg12 : memref<!tpu.dma_semaphore, #tpu.memory_space<semaphore_mem>>) src(%dma_wait3A_92 : memref<1000000x16xf32, #tpu.memory_space<hbm>>) dst(%dma_wait3A_86 : memref<128x16xf32, #tpu.memory_space<vmem>>)
    %dma_wait3A_93 = arith.constant 0 : i32
    %dma_wait3A_94 = arith.constant 0 : i32
    %dma_wait3A_95 = arith.constant 1 : i32
    %dma_wait3A_96 = arith.constant 0 : i32
    %dma_wait3A_97 = arith.constant 0 : i32
    %dma_wait3A_98 = tpu.memref_slice %arg11[%dma_wait3A_94, %dma_wait3A_95, %dma_wait3A_96, %dma_wait3A_97] : memref<2x8x128x16xf32, #tpu.memory_space<vmem>> -> memref<1x1x128x16xf32, #tpu.memory_space<vmem>>
    %dma_wait3A_99 = tpu.memref_squeeze %dma_wait3A_98 : memref<1x1x128x16xf32, #tpu.memory_space<vmem>> -> memref<128x16xf32, #tpu.memory_space<vmem>>
    %dma_wait3A_100 = arith.constant 0 : i32
    %dma_wait3A_101 = tpu.memref_slice %arg9[%dma_wait3A_93, %dma_wait3A_100] : memref<328x128xi32, #tpu.memory_space<vmem>> -> memref<1x128xi32, #tpu.memory_space<vmem>>
    %dma_wait3A_102 = tpu.memref_squeeze %dma_wait3A_101 : memref<1x128xi32, #tpu.memory_space<vmem>> -> memref<128xi32, #tpu.memory_space<vmem>>
    %dma_wait3A_103 = arith.constant 0 : i32
    %dma_wait3A_104 = arith.constant 0 : i32
    %dma_wait3A_105 = tpu.memref_slice %arg5[%dma_wait3A_103, %dma_wait3A_104] : memref<1000000x16xf32, #tpu.memory_space<hbm>> -> memref<1000000x16xf32, #tpu.memory_space<hbm>>
    tpu.wait_indirect_dma semaphore(%arg12 : memref<!tpu.dma_semaphore, #tpu.memory_space<semaphore_mem>>) src(%dma_wait3A_105 : memref<1000000x16xf32, #tpu.memory_space<hbm>>) dst(%dma_wait3A_99 : memref<128x16xf32, #tpu.memory_space<vmem>>)
    %dma_wait3A_106 = arith.constant 0 : i32
    %dma_wait3A_107 = arith.constant 0 : i32
    %dma_wait3A_108 = arith.constant 2 : i32
    %dma_wait3A_109 = arith.constant 0 : i32
    %dma_wait3A_110 = arith.constant 0 : i32
    %dma_wait3A_111 = tpu.memref_slice %arg11[%dma_wait3A_107, %dma_wait3A_108, %dma_wait3A_109, %dma_wait3A_110] : memref<2x8x128x16xf32, #tpu.memory_space<vmem>> -> memref<1x1x128x16xf32, #tpu.memory_space<vmem>>
    %dma_wait3A_112 = tpu.memref_squeeze %dma_wait3A_111 : memref<1x1x128x16xf32, #tpu.memory_space<vmem>> -> memref<128x16xf32, #tpu.memory_space<vmem>>
    %dma_wait3A_113 = arith.constant 0 : i32
    %dma_wait3A_114 = tpu.memref_slice %arg9[%dma_wait3A_106, %dma_wait3A_113] : memref<328x128xi32, #tpu.memory_space<vmem>> -> memref<1x128xi32, #tpu.memory_space<vmem>>
    %dma_wait3A_115 = tpu.memref_squeeze %dma_wait3A_114 : memref<1x128xi32, #tpu.memory_space<vmem>> -> memref<128xi32, #tpu.memory_space<vmem>>
    %dma_wait3A_116 = arith.constant 0 : i32
    %dma_wait3A_117 = arith.constant 0 : i32
    %dma_wait3A_118 = tpu.memref_slice %arg5[%dma_wait3A_116, %dma_wait3A_117] : memref<1000000x16xf32, #tpu.memory_space<hbm>> -> memref<1000000x16xf32, #tpu.memory_space<hbm>>
    tpu.wait_indirect_dma semaphore(%arg12 : memref<!tpu.dma_semaphore, #tpu.memory_space<semaphore_mem>>) src(%dma_wait3A_118 : memref<1000000x16xf32, #tpu.memory_space<hbm>>) dst(%dma_wait3A_112 : memref<128x16xf32, #tpu.memory_space<vmem>>)
    %dma_wait3A_119 = arith.constant 0 : i32
    %dma_wait3A_120 = arith.constant 0 : i32
    %dma_wait3A_121 = arith.constant 3 : i32
    %dma_wait3A_122 = arith.constant 0 : i32
    %dma_wait3A_123 = arith.constant 0 : i32
    %dma_wait3A_124 = tpu.memref_slice %arg11[%dma_wait3A_120, %dma_wait3A_121, %dma_wait3A_122, %dma_wait3A_123] : memref<2x8x128x16xf32, #tpu.memory_space<vmem>> -> memref<1x1x128x16xf32, #tpu.memory_space<vmem>>
    %dma_wait3A_125 = tpu.memref_squeeze %dma_wait3A_124 : memref<1x1x128x16xf32, #tpu.memory_space<vmem>> -> memref<128x16xf32, #tpu.memory_space<vmem>>
    %dma_wait3A_126 = arith.constant 0 : i32
    %dma_wait3A_127 = tpu.memref_slice %arg9[%dma_wait3A_119, %dma_wait3A_126] : memref<328x128xi32, #tpu.memory_space<vmem>> -> memref<1x128xi32, #tpu.memory_space<vmem>>
    %dma_wait3A_128 = tpu.memref_squeeze %dma_wait3A_127 : memref<1x128xi32, #tpu.memory_space<vmem>> -> memref<128xi32, #tpu.memory_space<vmem>>
    %dma_wait3A_129 = arith.constant 0 : i32
    %dma_wait3A_130 = arith.constant 0 : i32
    %dma_wait3A_131 = tpu.memref_slice %arg5[%dma_wait3A_129, %dma_wait3A_130] : memref<1000000x16xf32, #tpu.memory_space<hbm>> -> memref<1000000x16xf32, #tpu.memory_space<hbm>>
    tpu.wait_indirect_dma semaphore(%arg12 : memref<!tpu.dma_semaphore, #tpu.memory_space<semaphore_mem>>) src(%dma_wait3A_131 : memref<1000000x16xf32, #tpu.memory_space<hbm>>) dst(%dma_wait3A_125 : memref<128x16xf32, #tpu.memory_space<vmem>>)
    %dma_wait3A_132 = arith.constant 0 : i32
    %dma_wait3A_133 = arith.constant 0 : i32
    %dma_wait3A_134 = arith.constant 4 : i32
    %dma_wait3A_135 = arith.constant 0 : i32
    %dma_wait3A_136 = arith.constant 0 : i32
    %dma_wait3A_137 = tpu.memref_slice %arg11[%dma_wait3A_133, %dma_wait3A_134, %dma_wait3A_135, %dma_wait3A_136] : memref<2x8x128x16xf32, #tpu.memory_space<vmem>> -> memref<1x1x128x16xf32, #tpu.memory_space<vmem>>
    %dma_wait3A_138 = tpu.memref_squeeze %dma_wait3A_137 : memref<1x1x128x16xf32, #tpu.memory_space<vmem>> -> memref<128x16xf32, #tpu.memory_space<vmem>>
    %dma_wait3A_139 = arith.constant 0 : i32
    %dma_wait3A_140 = tpu.memref_slice %arg9[%dma_wait3A_132, %dma_wait3A_139] : memref<328x128xi32, #tpu.memory_space<vmem>> -> memref<1x128xi32, #tpu.memory_space<vmem>>
    %dma_wait3A_141 = tpu.memref_squeeze %dma_wait3A_140 : memref<1x128xi32, #tpu.memory_space<vmem>> -> memref<128xi32, #tpu.memory_space<vmem>>
    %dma_wait3A_142 = arith.constant 0 : i32
    %dma_wait3A_143 = arith.constant 0 : i32
    %dma_wait3A_144 = tpu.memref_slice %arg5[%dma_wait3A_142, %dma_wait3A_143] : memref<1000000x16xf32, #tpu.memory_space<hbm>> -> memref<1000000x16xf32, #tpu.memory_space<hbm>>
    tpu.wait_indirect_dma semaphore(%arg12 : memref<!tpu.dma_semaphore, #tpu.memory_space<semaphore_mem>>) src(%dma_wait3A_144 : memref<1000000x16xf32, #tpu.memory_space<hbm>>) dst(%dma_wait3A_138 : memref<128x16xf32, #tpu.memory_space<vmem>>)
    %dma_wait3A_145 = arith.constant 0 : i32
    %dma_wait3A_146 = arith.constant 0 : i32
    %dma_wait3A_147 = arith.constant 5 : i32
    %dma_wait3A_148 = arith.constant 0 : i32
    %dma_wait3A_149 = arith.constant 0 : i32
    %dma_wait3A_150 = tpu.memref_slice %arg11[%dma_wait3A_146, %dma_wait3A_147, %dma_wait3A_148, %dma_wait3A_149] : memref<2x8x128x16xf32, #tpu.memory_space<vmem>> -> memref<1x1x128x16xf32, #tpu.memory_space<vmem>>
    %dma_wait3A_151 = tpu.memref_squeeze %dma_wait3A_150 : memref<1x1x128x16xf32, #tpu.memory_space<vmem>> -> memref<128x16xf32, #tpu.memory_space<vmem>>
    %dma_wait3A_152 = arith.constant 0 : i32
    %dma_wait3A_153 = tpu.memref_slice %arg9[%dma_wait3A_145, %dma_wait3A_152] : memref<328x128xi32, #tpu.memory_space<vmem>> -> memref<1x128xi32, #tpu.memory_space<vmem>>
    %dma_wait3A_154 = tpu.memref_squeeze %dma_wait3A_153 : memref<1x128xi32, #tpu.memory_space<vmem>> -> memref<128xi32, #tpu.memory_space<vmem>>
    %dma_wait3A_155 = arith.constant 0 : i32
    %dma_wait3A_156 = arith.constant 0 : i32
    %dma_wait3A_157 = tpu.memref_slice %arg5[%dma_wait3A_155, %dma_wait3A_156] : memref<1000000x16xf32, #tpu.memory_space<hbm>> -> memref<1000000x16xf32, #tpu.memory_space<hbm>>
    tpu.wait_indirect_dma semaphore(%arg12 : memref<!tpu.dma_semaphore, #tpu.memory_space<semaphore_mem>>) src(%dma_wait3A_157 : memref<1000000x16xf32, #tpu.memory_space<hbm>>) dst(%dma_wait3A_151 : memref<128x16xf32, #tpu.memory_space<vmem>>)
    %dma_wait3A_158 = arith.constant 0 : i32
    %dma_wait3A_159 = arith.constant 0 : i32
    %dma_wait3A_160 = arith.constant 6 : i32
    %dma_wait3A_161 = arith.constant 0 : i32
    %dma_wait3A_162 = arith.constant 0 : i32
    %dma_wait3A_163 = tpu.memref_slice %arg11[%dma_wait3A_159, %dma_wait3A_160, %dma_wait3A_161, %dma_wait3A_162] : memref<2x8x128x16xf32, #tpu.memory_space<vmem>> -> memref<1x1x128x16xf32, #tpu.memory_space<vmem>>
    %dma_wait3A_164 = tpu.memref_squeeze %dma_wait3A_163 : memref<1x1x128x16xf32, #tpu.memory_space<vmem>> -> memref<128x16xf32, #tpu.memory_space<vmem>>
    %dma_wait3A_165 = arith.constant 0 : i32
    %dma_wait3A_166 = tpu.memref_slice %arg9[%dma_wait3A_158, %dma_wait3A_165] : memref<328x128xi32, #tpu.memory_space<vmem>> -> memref<1x128xi32, #tpu.memory_space<vmem>>
    %dma_wait3A_167 = tpu.memref_squeeze %dma_wait3A_166 : memref<1x128xi32, #tpu.memory_space<vmem>> -> memref<128xi32, #tpu.memory_space<vmem>>
    %dma_wait3A_168 = arith.constant 0 : i32
    %dma_wait3A_169 = arith.constant 0 : i32
    %dma_wait3A_170 = tpu.memref_slice %arg5[%dma_wait3A_168, %dma_wait3A_169] : memref<1000000x16xf32, #tpu.memory_space<hbm>> -> memref<1000000x16xf32, #tpu.memory_space<hbm>>
    tpu.wait_indirect_dma semaphore(%arg12 : memref<!tpu.dma_semaphore, #tpu.memory_space<semaphore_mem>>) src(%dma_wait3A_170 : memref<1000000x16xf32, #tpu.memory_space<hbm>>) dst(%dma_wait3A_164 : memref<128x16xf32, #tpu.memory_space<vmem>>)
    %dma_wait3A_171 = arith.constant 0 : i32
    %dma_wait3A_172 = arith.constant 0 : i32
    %dma_wait3A_173 = arith.constant 7 : i32
    %dma_wait3A_174 = arith.constant 0 : i32
    %dma_wait3A_175 = arith.constant 0 : i32
    %dma_wait3A_176 = tpu.memref_slice %arg11[%dma_wait3A_172, %dma_wait3A_173, %dma_wait3A_174, %dma_wait3A_175] : memref<2x8x128x16xf32, #tpu.memory_space<vmem>> -> memref<1x1x128x16xf32, #tpu.memory_space<vmem>>
    %dma_wait3A_177 = tpu.memref_squeeze %dma_wait3A_176 : memref<1x1x128x16xf32, #tpu.memory_space<vmem>> -> memref<128x16xf32, #tpu.memory_space<vmem>>
    %dma_wait3A_178 = arith.constant 0 : i32
    %dma_wait3A_179 = tpu.memref_slice %arg9[%dma_wait3A_171, %dma_wait3A_178] : memref<328x128xi32, #tpu.memory_space<vmem>> -> memref<1x128xi32, #tpu.memory_space<vmem>>
    %dma_wait3A_180 = tpu.memref_squeeze %dma_wait3A_179 : memref<1x128xi32, #tpu.memory_space<vmem>> -> memref<128xi32, #tpu.memory_space<vmem>>
    %dma_wait3A_181 = arith.constant 0 : i32
    %dma_wait3A_182 = arith.constant 0 : i32
    %dma_wait3A_183 = tpu.memref_slice %arg5[%dma_wait3A_181, %dma_wait3A_182] : memref<1000000x16xf32, #tpu.memory_space<hbm>> -> memref<1000000x16xf32, #tpu.memory_space<hbm>>
    tpu.wait_indirect_dma semaphore(%arg12 : memref<!tpu.dma_semaphore, #tpu.memory_space<semaphore_mem>>) src(%dma_wait3A_183 : memref<1000000x16xf32, #tpu.memory_space<hbm>>) dst(%dma_wait3A_177 : memref<128x16xf32, #tpu.memory_space<vmem>>)
    %add3A_184 = arith.constant 320 : i32
    %add3A_185 = arith.addi %mul3A_73, %add3A_184 : i32
    %dma_start3A_186 = arith.constant 0 : i32
    %dma_start3A_187 = arith.constant 0 : i32
    %dma_start3A_188 = arith.constant 0 : i32
    %dma_start3A_189 = arith.constant 0 : i32
    %dma_start3A_190 = tpu.memref_slice %arg11[%dma_start3A_186, %dma_start3A_187, %dma_start3A_188, %dma_start3A_189] : memref<2x8x128x16xf32, #tpu.memory_space<vmem>> -> memref<1x8x128x16xf32, #tpu.memory_space<vmem>>
    %dma_start3A_191 = tpu.memref_squeeze %dma_start3A_190 : memref<1x8x128x16xf32, #tpu.memory_space<vmem>> -> memref<8x128x16xf32, #tpu.memory_space<vmem>>
    %dma_start3A_192 = arith.constant 0 : i32
    %dma_start3A_193 = arith.constant 0 : i32
    %dma_start3A_194 = tpu.memref_slice %arg7[%add3A_185, %dma_start3A_192, %dma_start3A_193] : memref<10496x128x16xf32, #tpu.memory_space<hbm>> -> memref<8x128x16xf32, #tpu.memory_space<hbm>>
    %dma_start3A_195 = arith.constant 0 : i32
    %dma_start3A_196 = arith.constant 0 : i32
    %dma_start3A_197 = tpu.memref_slice %arg7[%add3A_185, %dma_start3A_195, %dma_start3A_196] : memref<10496x128x16xf32, #tpu.memory_space<hbm>> -> memref<8x128x16xf32, #tpu.memory_space<hbm>>
    %dma_start3A_198 = arith.constant 0 : i32
    %dma_start3A_199 = arith.constant 0 : i32
    %dma_start3A_200 = arith.constant 0 : i32
    %dma_start3A_201 = tpu.memref_slice %arg11[%dma_start3A_186, %dma_start3A_198, %dma_start3A_199, %dma_start3A_200] : memref<2x8x128x16xf32, #tpu.memory_space<vmem>> -> memref<1x8x128x16xf32, #tpu.memory_space<vmem>>
    %dma_start3A_202 = tpu.memref_squeeze %dma_start3A_201 : memref<1x8x128x16xf32, #tpu.memory_space<vmem>> -> memref<8x128x16xf32, #tpu.memory_space<vmem>>
    tpu.enqueue_dma source(%dma_start3A_202 : memref<8x128x16xf32, #tpu.memory_space<vmem>>) target(%dma_start3A_197 : memref<8x128x16xf32, #tpu.memory_space<hbm>>) target_semaphore(%arg13 : memref<!tpu.dma_semaphore, #tpu.memory_space<semaphore_mem>>)
    %dma_wait3A_203 = arith.constant 0 : i32
    %dma_wait3A_204 = arith.constant 0 : i32
    %dma_wait3A_205 = arith.constant 0 : i32
    %dma_wait3A_206 = arith.constant 0 : i32
    %dma_wait3A_207 = tpu.memref_slice %arg11[%dma_wait3A_203, %dma_wait3A_204, %dma_wait3A_205, %dma_wait3A_206] : memref<2x8x128x16xf32, #tpu.memory_space<vmem>> -> memref<1x8x128x16xf32, #tpu.memory_space<vmem>>
    %dma_wait3A_208 = tpu.memref_squeeze %dma_wait3A_207 : memref<1x8x128x16xf32, #tpu.memory_space<vmem>> -> memref<8x128x16xf32, #tpu.memory_space<vmem>>
    %dma_wait3A_209 = arith.constant 0 : i32
    %dma_wait3A_210 = arith.constant 0 : i32
    %dma_wait3A_211 = tpu.memref_slice %arg7[%mul3A_73, %dma_wait3A_209, %dma_wait3A_210] : memref<10496x128x16xf32, #tpu.memory_space<hbm>> -> memref<8x128x16xf32, #tpu.memory_space<hbm>>
    %dma_wait3A_212 = arith.constant 0 : i32
    %dma_wait3A_213 = arith.constant 0 : i32
    %dma_wait3A_214 = tpu.memref_slice %arg7[%mul3A_73, %dma_wait3A_212, %dma_wait3A_213] : memref<10496x128x16xf32, #tpu.memory_space<hbm>> -> memref<8x128x16xf32, #tpu.memory_space<hbm>>
    %dma_wait3A_215 = arith.constant 0 : i32
    %dma_wait3A_216 = arith.constant 0 : i32
    %dma_wait3A_217 = arith.constant 0 : i32
    %dma_wait3A_218 = tpu.memref_slice %arg11[%dma_wait3A_203, %dma_wait3A_215, %dma_wait3A_216, %dma_wait3A_217] : memref<2x8x128x16xf32, #tpu.memory_space<vmem>> -> memref<1x8x128x16xf32, #tpu.memory_space<vmem>>
    %dma_wait3A_219 = tpu.memref_squeeze %dma_wait3A_218 : memref<1x8x128x16xf32, #tpu.memory_space<vmem>> -> memref<8x128x16xf32, #tpu.memory_space<vmem>>
    tpu.wait_dma2 semaphore(%arg13 : memref<!tpu.dma_semaphore, #tpu.memory_space<semaphore_mem>>) src(%dma_wait3A_219 : memref<8x128x16xf32, #tpu.memory_space<vmem>>) dst(%dma_wait3A_214 : memref<8x128x16xf32, #tpu.memory_space<hbm>>)
    %dma_wait3A_220 = arith.constant 1 : i32
    %dma_wait3A_221 = arith.constant 0 : i32
    %dma_wait3A_222 = arith.constant 0 : i32
    %dma_wait3A_223 = arith.constant 0 : i32
    %dma_wait3A_224 = tpu.memref_slice %arg11[%dma_wait3A_220, %dma_wait3A_221, %dma_wait3A_222, %dma_wait3A_223] : memref<2x8x128x16xf32, #tpu.memory_space<vmem>> -> memref<1x8x128x16xf32, #tpu.memory_space<vmem>>
    %dma_wait3A_225 = tpu.memref_squeeze %dma_wait3A_224 : memref<1x8x128x16xf32, #tpu.memory_space<vmem>> -> memref<8x128x16xf32, #tpu.memory_space<vmem>>
    %dma_wait3A_226 = arith.constant 0 : i32
    %dma_wait3A_227 = arith.constant 0 : i32
    %dma_wait3A_228 = tpu.memref_slice %arg7[%mul3A_73, %dma_wait3A_226, %dma_wait3A_227] : memref<10496x128x16xf32, #tpu.memory_space<hbm>> -> memref<8x128x16xf32, #tpu.memory_space<hbm>>
    %dma_wait3A_229 = arith.constant 0 : i32
    %dma_wait3A_230 = arith.constant 0 : i32
    %dma_wait3A_231 = tpu.memref_slice %arg7[%mul3A_73, %dma_wait3A_229, %dma_wait3A_230] : memref<10496x128x16xf32, #tpu.memory_space<hbm>> -> memref<8x128x16xf32, #tpu.memory_space<hbm>>
    %dma_wait3A_232 = arith.constant 0 : i32
    %dma_wait3A_233 = arith.constant 0 : i32
    %dma_wait3A_234 = arith.constant 0 : i32
    %dma_wait3A_235 = tpu.memref_slice %arg11[%dma_wait3A_220, %dma_wait3A_232, %dma_wait3A_233, %dma_wait3A_234] : memref<2x8x128x16xf32, #tpu.memory_space<vmem>> -> memref<1x8x128x16xf32, #tpu.memory_space<vmem>>
    %dma_wait3A_236 = tpu.memref_squeeze %dma_wait3A_235 : memref<1x8x128x16xf32, #tpu.memory_space<vmem>> -> memref<8x128x16xf32, #tpu.memory_space<vmem>>
    tpu.wait_dma2 semaphore(%arg13 : memref<!tpu.dma_semaphore, #tpu.memory_space<semaphore_mem>>) src(%dma_wait3A_236 : memref<8x128x16xf32, #tpu.memory_space<vmem>>) dst(%dma_wait3A_231 : memref<8x128x16xf32, #tpu.memory_space<hbm>>)
    return
  }
}

module attributes {stable_mosaic.version = 14 : i64} {
  func.func @_tc_mlp_body(%arg0: i32, %arg1: memref<256x13xf32, #tpu.memory_space<vmem>>, %arg2: memref<32x32x8x128xf32, #tpu.memory_space<vmem>>, %arg3: memref<256x5248xf32, #tpu.memory_space<vmem>>, %arg4: memref<13x520xf32, #tpu.memory_space<vmem>>, %arg5: memref<520x100xf32, #tpu.memory_space<vmem>>, %arg6: memref<32x128x100xf32, #tpu.memory_space<vmem>>, %arg7: memref<5248x100xf32, #tpu.memory_space<vmem>>, %arg8: memref<1x100xf32, #tpu.memory_space<vmem>>, %arg9: memref<1x100xf32, #tpu.memory_space<vmem>>, %arg10: memref<1x100xf32, #tpu.memory_space<vmem>>, %arg11: memref<100x100xf32, #tpu.memory_space<vmem>>, %arg12: memref<1x100xf32, #tpu.memory_space<vmem>>, %arg13: memref<1x100xf32, #tpu.memory_space<vmem>>, %arg14: memref<1x100xf32, #tpu.memory_space<vmem>>, %arg15: memref<100x1xf32, #tpu.memory_space<vmem>>, %arg16: memref<1x1xf32, #tpu.memory_space<vmem>>, %arg17: memref<256x1xf32, #tpu.memory_space<vmem>>) attributes {dimension_semantics = [#tpu.dimension_semantics<arbitrary>], iteration_bounds = array<i64: 16>, scalar_prefetch = 0 : i64, scratch_operands = 0 : i64, tpu.core_type = #tpu.core_type<tc>, window_params = [{transform_indices = @transform_0, window_bounds = array<i64: 256, 13>}, {transform_indices = @transform_1, window_bounds = array<i64: 32, 32, 8, 128>}, {transform_indices = @transform_2, window_bounds = array<i64: 256, 5248>}, {pipeline_mode = #tpu.pipeline_mode<synchronous>, transform_indices = @transform_3, window_bounds = array<i64: 13, 520>}, {pipeline_mode = #tpu.pipeline_mode<synchronous>, transform_indices = @transform_4, window_bounds = array<i64: 520, 100>}, {pipeline_mode = #tpu.pipeline_mode<synchronous>, transform_indices = @transform_5, window_bounds = array<i64: 32, 128, 100>}, {pipeline_mode = #tpu.pipeline_mode<synchronous>, transform_indices = @transform_6, window_bounds = array<i64: 5248, 100>}, {pipeline_mode = #tpu.pipeline_mode<synchronous>, transform_indices = @transform_7, window_bounds = array<i64: 1, 100>}, {pipeline_mode = #tpu.pipeline_mode<synchronous>, transform_indices = @transform_8, window_bounds = array<i64: 1, 100>}, {pipeline_mode = #tpu.pipeline_mode<synchronous>, transform_indices = @transform_9, window_bounds = array<i64: 1, 100>}, {pipeline_mode = #tpu.pipeline_mode<synchronous>, transform_indices = @transform_10, window_bounds = array<i64: 100, 100>}, {pipeline_mode = #tpu.pipeline_mode<synchronous>, transform_indices = @transform_11, window_bounds = array<i64: 1, 100>}, {pipeline_mode = #tpu.pipeline_mode<synchronous>, transform_indices = @transform_12, window_bounds = array<i64: 1, 100>}, {pipeline_mode = #tpu.pipeline_mode<synchronous>, transform_indices = @transform_13, window_bounds = array<i64: 1, 100>}, {pipeline_mode = #tpu.pipeline_mode<synchronous>, transform_indices = @transform_14, window_bounds = array<i64: 100, 1>}, {pipeline_mode = #tpu.pipeline_mode<synchronous>, transform_indices = @transform_15, window_bounds = array<i64: 1, 1>}, {transform_indices = @transform_16, window_bounds = array<i64: 256, 1>}]} {
    %get3A = arith.constant 0 : index
    %get3A_0 = arith.constant 0 : index
    %get3A_1 = vector.load %arg1[%get3A, %get3A_0] : memref<256x13xf32, #tpu.memory_space<vmem>>, vector<256x13xf32>
    %get3A_2 = arith.constant 0 : index
    %get3A_3 = arith.constant 0 : index
    %get3A_4 = vector.load %arg4[%get3A_2, %get3A_3] : memref<13x520xf32, #tpu.memory_space<vmem>>, vector<13x520xf32>
    %dot_general3A = arith.constant dense<0.000000e+00> : vector<256x520xf32>
    %dot_general3A_5 = tpu.matmul %get3A_1, %get3A_4, %dot_general3A {dimension_numbers = #tpu.dot_dimension_numbers<[1], [0], [0], [1], [0, 0, 1, 1], [], []>, transpose_lhs_hint = false} : vector<256x13xf32>, vector<13x520xf32>, vector<256x520xf32> -> vector<256x520xf32>
    %get3A_6 = arith.constant 0 : index
    %get3A_7 = arith.constant 0 : index
    %get3A_8 = vector.load %arg5[%get3A_6, %get3A_7] : memref<520x100xf32, #tpu.memory_space<vmem>>, vector<520x100xf32>
    %dot_general3A_9 = arith.constant dense<0.000000e+00> : vector<256x100xf32>
    %dot_general3A_10 = tpu.matmul %dot_general3A_5, %get3A_8, %dot_general3A_9 {dimension_numbers = #tpu.dot_dimension_numbers<[1], [0], [0], [1], [0, 0, 1, 1], [], []>, transpose_lhs_hint = false} : vector<256x520xf32>, vector<520x100xf32>, vector<256x100xf32> -> vector<256x100xf32>
    %get3A_11 = arith.constant 0 : index
    %get3A_12 = arith.constant 0 : index
    %get3A_13 = arith.constant 0 : index
    %get3A_14 = arith.constant 0 : index
    %get3A_15 = vector.load %arg2[%get3A_11, %get3A_12, %get3A_13, %get3A_14] : memref<32x32x8x128xf32, #tpu.memory_space<vmem>>, vector<32x1x8x128xf32>
    %get3A_16 = vector.shape_cast %get3A_15 : vector<32x1x8x128xf32> to vector<32x8x128xf32>
    %reshape3A = vector.shape_cast %get3A_16 : vector<32x8x128xf32> to vector<256x128xf32>
    %get3A_17 = arith.constant 0 : index
    %get3A_18 = arith.constant 0 : index
    %get3A_19 = arith.constant 0 : index
    %get3A_20 = vector.load %arg6[%get3A_17, %get3A_18, %get3A_19] : memref<32x128x100xf32, #tpu.memory_space<vmem>>, vector<1x128x100xf32>
    %get3A_21 = vector.shape_cast %get3A_20 : vector<1x128x100xf32> to vector<128x100xf32>
    %dot_general3A_22 = arith.constant dense<0.000000e+00> : vector<256x100xf32>
    %dot_general3A_23 = tpu.matmul %reshape3A, %get3A_21, %dot_general3A_22 {dimension_numbers = #tpu.dot_dimension_numbers<[1], [0], [0], [1], [0, 0, 1, 1], [], []>, transpose_lhs_hint = false} : vector<256x128xf32>, vector<128x100xf32>, vector<256x100xf32> -> vector<256x100xf32>
    %add3A = arith.addf %dot_general3A_10, %dot_general3A_23 : vector<256x100xf32>
    %get3A_24 = arith.constant 0 : index
    %get3A_25 = arith.constant 1 : index
    %get3A_26 = arith.constant 0 : index
    %get3A_27 = arith.constant 0 : index
    %get3A_28 = vector.load %arg2[%get3A_24, %get3A_25, %get3A_26, %get3A_27] : memref<32x32x8x128xf32, #tpu.memory_space<vmem>>, vector<32x1x8x128xf32>
    %get3A_29 = vector.shape_cast %get3A_28 : vector<32x1x8x128xf32> to vector<32x8x128xf32>
    %reshape3A_30 = vector.shape_cast %get3A_29 : vector<32x8x128xf32> to vector<256x128xf32>
    %get3A_31 = arith.constant 1 : index
    %get3A_32 = arith.constant 0 : index
    %get3A_33 = arith.constant 0 : index
    %get3A_34 = vector.load %arg6[%get3A_31, %get3A_32, %get3A_33] : memref<32x128x100xf32, #tpu.memory_space<vmem>>, vector<1x128x100xf32>
    %get3A_35 = vector.shape_cast %get3A_34 : vector<1x128x100xf32> to vector<128x100xf32>
    %dot_general3A_36 = arith.constant dense<0.000000e+00> : vector<256x100xf32>
    %dot_general3A_37 = tpu.matmul %reshape3A_30, %get3A_35, %dot_general3A_36 {dimension_numbers = #tpu.dot_dimension_numbers<[1], [0], [0], [1], [0, 0, 1, 1], [], []>, transpose_lhs_hint = false} : vector<256x128xf32>, vector<128x100xf32>, vector<256x100xf32> -> vector<256x100xf32>
    %add3A_38 = arith.addf %add3A, %dot_general3A_37 : vector<256x100xf32>
    %get3A_39 = arith.constant 0 : index
    %get3A_40 = arith.constant 2 : index
    %get3A_41 = arith.constant 0 : index
    %get3A_42 = arith.constant 0 : index
    %get3A_43 = vector.load %arg2[%get3A_39, %get3A_40, %get3A_41, %get3A_42] : memref<32x32x8x128xf32, #tpu.memory_space<vmem>>, vector<32x1x8x128xf32>
    %get3A_44 = vector.shape_cast %get3A_43 : vector<32x1x8x128xf32> to vector<32x8x128xf32>
    %reshape3A_45 = vector.shape_cast %get3A_44 : vector<32x8x128xf32> to vector<256x128xf32>
    %get3A_46 = arith.constant 2 : index
    %get3A_47 = arith.constant 0 : index
    %get3A_48 = arith.constant 0 : index
    %get3A_49 = vector.load %arg6[%get3A_46, %get3A_47, %get3A_48] : memref<32x128x100xf32, #tpu.memory_space<vmem>>, vector<1x128x100xf32>
    %get3A_50 = vector.shape_cast %get3A_49 : vector<1x128x100xf32> to vector<128x100xf32>
    %dot_general3A_51 = arith.constant dense<0.000000e+00> : vector<256x100xf32>
    %dot_general3A_52 = tpu.matmul %reshape3A_45, %get3A_50, %dot_general3A_51 {dimension_numbers = #tpu.dot_dimension_numbers<[1], [0], [0], [1], [0, 0, 1, 1], [], []>, transpose_lhs_hint = false} : vector<256x128xf32>, vector<128x100xf32>, vector<256x100xf32> -> vector<256x100xf32>
    %add3A_53 = arith.addf %add3A_38, %dot_general3A_52 : vector<256x100xf32>
    %get3A_54 = arith.constant 0 : index
    %get3A_55 = arith.constant 3 : index
    %get3A_56 = arith.constant 0 : index
    %get3A_57 = arith.constant 0 : index
    %get3A_58 = vector.load %arg2[%get3A_54, %get3A_55, %get3A_56, %get3A_57] : memref<32x32x8x128xf32, #tpu.memory_space<vmem>>, vector<32x1x8x128xf32>
    %get3A_59 = vector.shape_cast %get3A_58 : vector<32x1x8x128xf32> to vector<32x8x128xf32>
    %reshape3A_60 = vector.shape_cast %get3A_59 : vector<32x8x128xf32> to vector<256x128xf32>
    %get3A_61 = arith.constant 3 : index
    %get3A_62 = arith.constant 0 : index
    %get3A_63 = arith.constant 0 : index
    %get3A_64 = vector.load %arg6[%get3A_61, %get3A_62, %get3A_63] : memref<32x128x100xf32, #tpu.memory_space<vmem>>, vector<1x128x100xf32>
    %get3A_65 = vector.shape_cast %get3A_64 : vector<1x128x100xf32> to vector<128x100xf32>
    %dot_general3A_66 = arith.constant dense<0.000000e+00> : vector<256x100xf32>
    %dot_general3A_67 = tpu.matmul %reshape3A_60, %get3A_65, %dot_general3A_66 {dimension_numbers = #tpu.dot_dimension_numbers<[1], [0], [0], [1], [0, 0, 1, 1], [], []>, transpose_lhs_hint = false} : vector<256x128xf32>, vector<128x100xf32>, vector<256x100xf32> -> vector<256x100xf32>
    %add3A_68 = arith.addf %add3A_53, %dot_general3A_67 : vector<256x100xf32>
    %get3A_69 = arith.constant 0 : index
    %get3A_70 = arith.constant 4 : index
    %get3A_71 = arith.constant 0 : index
    %get3A_72 = arith.constant 0 : index
    %get3A_73 = vector.load %arg2[%get3A_69, %get3A_70, %get3A_71, %get3A_72] : memref<32x32x8x128xf32, #tpu.memory_space<vmem>>, vector<32x1x8x128xf32>
    %get3A_74 = vector.shape_cast %get3A_73 : vector<32x1x8x128xf32> to vector<32x8x128xf32>
    %reshape3A_75 = vector.shape_cast %get3A_74 : vector<32x8x128xf32> to vector<256x128xf32>
    %get3A_76 = arith.constant 4 : index
    %get3A_77 = arith.constant 0 : index
    %get3A_78 = arith.constant 0 : index
    %get3A_79 = vector.load %arg6[%get3A_76, %get3A_77, %get3A_78] : memref<32x128x100xf32, #tpu.memory_space<vmem>>, vector<1x128x100xf32>
    %get3A_80 = vector.shape_cast %get3A_79 : vector<1x128x100xf32> to vector<128x100xf32>
    %dot_general3A_81 = arith.constant dense<0.000000e+00> : vector<256x100xf32>
    %dot_general3A_82 = tpu.matmul %reshape3A_75, %get3A_80, %dot_general3A_81 {dimension_numbers = #tpu.dot_dimension_numbers<[1], [0], [0], [1], [0, 0, 1, 1], [], []>, transpose_lhs_hint = false} : vector<256x128xf32>, vector<128x100xf32>, vector<256x100xf32> -> vector<256x100xf32>
    %add3A_83 = arith.addf %add3A_68, %dot_general3A_82 : vector<256x100xf32>
    %get3A_84 = arith.constant 0 : index
    %get3A_85 = arith.constant 5 : index
    %get3A_86 = arith.constant 0 : index
    %get3A_87 = arith.constant 0 : index
    %get3A_88 = vector.load %arg2[%get3A_84, %get3A_85, %get3A_86, %get3A_87] : memref<32x32x8x128xf32, #tpu.memory_space<vmem>>, vector<32x1x8x128xf32>
    %get3A_89 = vector.shape_cast %get3A_88 : vector<32x1x8x128xf32> to vector<32x8x128xf32>
    %reshape3A_90 = vector.shape_cast %get3A_89 : vector<32x8x128xf32> to vector<256x128xf32>
    %get3A_91 = arith.constant 5 : index
    %get3A_92 = arith.constant 0 : index
    %get3A_93 = arith.constant 0 : index
    %get3A_94 = vector.load %arg6[%get3A_91, %get3A_92, %get3A_93] : memref<32x128x100xf32, #tpu.memory_space<vmem>>, vector<1x128x100xf32>
    %get3A_95 = vector.shape_cast %get3A_94 : vector<1x128x100xf32> to vector<128x100xf32>
    %dot_general3A_96 = arith.constant dense<0.000000e+00> : vector<256x100xf32>
    %dot_general3A_97 = tpu.matmul %reshape3A_90, %get3A_95, %dot_general3A_96 {dimension_numbers = #tpu.dot_dimension_numbers<[1], [0], [0], [1], [0, 0, 1, 1], [], []>, transpose_lhs_hint = false} : vector<256x128xf32>, vector<128x100xf32>, vector<256x100xf32> -> vector<256x100xf32>
    %add3A_98 = arith.addf %add3A_83, %dot_general3A_97 : vector<256x100xf32>
    %get3A_99 = arith.constant 0 : index
    %get3A_100 = arith.constant 6 : index
    %get3A_101 = arith.constant 0 : index
    %get3A_102 = arith.constant 0 : index
    %get3A_103 = vector.load %arg2[%get3A_99, %get3A_100, %get3A_101, %get3A_102] : memref<32x32x8x128xf32, #tpu.memory_space<vmem>>, vector<32x1x8x128xf32>
    %get3A_104 = vector.shape_cast %get3A_103 : vector<32x1x8x128xf32> to vector<32x8x128xf32>
    %reshape3A_105 = vector.shape_cast %get3A_104 : vector<32x8x128xf32> to vector<256x128xf32>
    %get3A_106 = arith.constant 6 : index
    %get3A_107 = arith.constant 0 : index
    %get3A_108 = arith.constant 0 : index
    %get3A_109 = vector.load %arg6[%get3A_106, %get3A_107, %get3A_108] : memref<32x128x100xf32, #tpu.memory_space<vmem>>, vector<1x128x100xf32>
    %get3A_110 = vector.shape_cast %get3A_109 : vector<1x128x100xf32> to vector<128x100xf32>
    %dot_general3A_111 = arith.constant dense<0.000000e+00> : vector<256x100xf32>
    %dot_general3A_112 = tpu.matmul %reshape3A_105, %get3A_110, %dot_general3A_111 {dimension_numbers = #tpu.dot_dimension_numbers<[1], [0], [0], [1], [0, 0, 1, 1], [], []>, transpose_lhs_hint = false} : vector<256x128xf32>, vector<128x100xf32>, vector<256x100xf32> -> vector<256x100xf32>
    %add3A_113 = arith.addf %add3A_98, %dot_general3A_112 : vector<256x100xf32>
    %get3A_114 = arith.constant 0 : index
    %get3A_115 = arith.constant 7 : index
    %get3A_116 = arith.constant 0 : index
    %get3A_117 = arith.constant 0 : index
    %get3A_118 = vector.load %arg2[%get3A_114, %get3A_115, %get3A_116, %get3A_117] : memref<32x32x8x128xf32, #tpu.memory_space<vmem>>, vector<32x1x8x128xf32>
    %get3A_119 = vector.shape_cast %get3A_118 : vector<32x1x8x128xf32> to vector<32x8x128xf32>
    %reshape3A_120 = vector.shape_cast %get3A_119 : vector<32x8x128xf32> to vector<256x128xf32>
    %get3A_121 = arith.constant 7 : index
    %get3A_122 = arith.constant 0 : index
    %get3A_123 = arith.constant 0 : index
    %get3A_124 = vector.load %arg6[%get3A_121, %get3A_122, %get3A_123] : memref<32x128x100xf32, #tpu.memory_space<vmem>>, vector<1x128x100xf32>
    %get3A_125 = vector.shape_cast %get3A_124 : vector<1x128x100xf32> to vector<128x100xf32>
    %dot_general3A_126 = arith.constant dense<0.000000e+00> : vector<256x100xf32>
    %dot_general3A_127 = tpu.matmul %reshape3A_120, %get3A_125, %dot_general3A_126 {dimension_numbers = #tpu.dot_dimension_numbers<[1], [0], [0], [1], [0, 0, 1, 1], [], []>, transpose_lhs_hint = false} : vector<256x128xf32>, vector<128x100xf32>, vector<256x100xf32> -> vector<256x100xf32>
    %add3A_128 = arith.addf %add3A_113, %dot_general3A_127 : vector<256x100xf32>
    %get3A_129 = arith.constant 0 : index
    %get3A_130 = arith.constant 8 : index
    %get3A_131 = arith.constant 0 : index
    %get3A_132 = arith.constant 0 : index
    %get3A_133 = vector.load %arg2[%get3A_129, %get3A_130, %get3A_131, %get3A_132] : memref<32x32x8x128xf32, #tpu.memory_space<vmem>>, vector<32x1x8x128xf32>
    %get3A_134 = vector.shape_cast %get3A_133 : vector<32x1x8x128xf32> to vector<32x8x128xf32>
    %reshape3A_135 = vector.shape_cast %get3A_134 : vector<32x8x128xf32> to vector<256x128xf32>
    %get3A_136 = arith.constant 8 : index
    %get3A_137 = arith.constant 0 : index
    %get3A_138 = arith.constant 0 : index
    %get3A_139 = vector.load %arg6[%get3A_136, %get3A_137, %get3A_138] : memref<32x128x100xf32, #tpu.memory_space<vmem>>, vector<1x128x100xf32>
    %get3A_140 = vector.shape_cast %get3A_139 : vector<1x128x100xf32> to vector<128x100xf32>
    %dot_general3A_141 = arith.constant dense<0.000000e+00> : vector<256x100xf32>
    %dot_general3A_142 = tpu.matmul %reshape3A_135, %get3A_140, %dot_general3A_141 {dimension_numbers = #tpu.dot_dimension_numbers<[1], [0], [0], [1], [0, 0, 1, 1], [], []>, transpose_lhs_hint = false} : vector<256x128xf32>, vector<128x100xf32>, vector<256x100xf32> -> vector<256x100xf32>
    %add3A_143 = arith.addf %add3A_128, %dot_general3A_142 : vector<256x100xf32>
    %get3A_144 = arith.constant 0 : index
    %get3A_145 = arith.constant 9 : index
    %get3A_146 = arith.constant 0 : index
    %get3A_147 = arith.constant 0 : index
    %get3A_148 = vector.load %arg2[%get3A_144, %get3A_145, %get3A_146, %get3A_147] : memref<32x32x8x128xf32, #tpu.memory_space<vmem>>, vector<32x1x8x128xf32>
    %get3A_149 = vector.shape_cast %get3A_148 : vector<32x1x8x128xf32> to vector<32x8x128xf32>
    %reshape3A_150 = vector.shape_cast %get3A_149 : vector<32x8x128xf32> to vector<256x128xf32>
    %get3A_151 = arith.constant 9 : index
    %get3A_152 = arith.constant 0 : index
    %get3A_153 = arith.constant 0 : index
    %get3A_154 = vector.load %arg6[%get3A_151, %get3A_152, %get3A_153] : memref<32x128x100xf32, #tpu.memory_space<vmem>>, vector<1x128x100xf32>
    %get3A_155 = vector.shape_cast %get3A_154 : vector<1x128x100xf32> to vector<128x100xf32>
    %dot_general3A_156 = arith.constant dense<0.000000e+00> : vector<256x100xf32>
    %dot_general3A_157 = tpu.matmul %reshape3A_150, %get3A_155, %dot_general3A_156 {dimension_numbers = #tpu.dot_dimension_numbers<[1], [0], [0], [1], [0, 0, 1, 1], [], []>, transpose_lhs_hint = false} : vector<256x128xf32>, vector<128x100xf32>, vector<256x100xf32> -> vector<256x100xf32>
    %add3A_158 = arith.addf %add3A_143, %dot_general3A_157 : vector<256x100xf32>
    %get3A_159 = arith.constant 0 : index
    %get3A_160 = arith.constant 10 : index
    %get3A_161 = arith.constant 0 : index
    %get3A_162 = arith.constant 0 : index
    %get3A_163 = vector.load %arg2[%get3A_159, %get3A_160, %get3A_161, %get3A_162] : memref<32x32x8x128xf32, #tpu.memory_space<vmem>>, vector<32x1x8x128xf32>
    %get3A_164 = vector.shape_cast %get3A_163 : vector<32x1x8x128xf32> to vector<32x8x128xf32>
    %reshape3A_165 = vector.shape_cast %get3A_164 : vector<32x8x128xf32> to vector<256x128xf32>
    %get3A_166 = arith.constant 10 : index
    %get3A_167 = arith.constant 0 : index
    %get3A_168 = arith.constant 0 : index
    %get3A_169 = vector.load %arg6[%get3A_166, %get3A_167, %get3A_168] : memref<32x128x100xf32, #tpu.memory_space<vmem>>, vector<1x128x100xf32>
    %get3A_170 = vector.shape_cast %get3A_169 : vector<1x128x100xf32> to vector<128x100xf32>
    %dot_general3A_171 = arith.constant dense<0.000000e+00> : vector<256x100xf32>
    %dot_general3A_172 = tpu.matmul %reshape3A_165, %get3A_170, %dot_general3A_171 {dimension_numbers = #tpu.dot_dimension_numbers<[1], [0], [0], [1], [0, 0, 1, 1], [], []>, transpose_lhs_hint = false} : vector<256x128xf32>, vector<128x100xf32>, vector<256x100xf32> -> vector<256x100xf32>
    %add3A_173 = arith.addf %add3A_158, %dot_general3A_172 : vector<256x100xf32>
    %get3A_174 = arith.constant 0 : index
    %get3A_175 = arith.constant 11 : index
    %get3A_176 = arith.constant 0 : index
    %get3A_177 = arith.constant 0 : index
    %get3A_178 = vector.load %arg2[%get3A_174, %get3A_175, %get3A_176, %get3A_177] : memref<32x32x8x128xf32, #tpu.memory_space<vmem>>, vector<32x1x8x128xf32>
    %get3A_179 = vector.shape_cast %get3A_178 : vector<32x1x8x128xf32> to vector<32x8x128xf32>
    %reshape3A_180 = vector.shape_cast %get3A_179 : vector<32x8x128xf32> to vector<256x128xf32>
    %get3A_181 = arith.constant 11 : index
    %get3A_182 = arith.constant 0 : index
    %get3A_183 = arith.constant 0 : index
    %get3A_184 = vector.load %arg6[%get3A_181, %get3A_182, %get3A_183] : memref<32x128x100xf32, #tpu.memory_space<vmem>>, vector<1x128x100xf32>
    %get3A_185 = vector.shape_cast %get3A_184 : vector<1x128x100xf32> to vector<128x100xf32>
    %dot_general3A_186 = arith.constant dense<0.000000e+00> : vector<256x100xf32>
    %dot_general3A_187 = tpu.matmul %reshape3A_180, %get3A_185, %dot_general3A_186 {dimension_numbers = #tpu.dot_dimension_numbers<[1], [0], [0], [1], [0, 0, 1, 1], [], []>, transpose_lhs_hint = false} : vector<256x128xf32>, vector<128x100xf32>, vector<256x100xf32> -> vector<256x100xf32>
    %add3A_188 = arith.addf %add3A_173, %dot_general3A_187 : vector<256x100xf32>
    %get3A_189 = arith.constant 0 : index
    %get3A_190 = arith.constant 12 : index
    %get3A_191 = arith.constant 0 : index
    %get3A_192 = arith.constant 0 : index
    %get3A_193 = vector.load %arg2[%get3A_189, %get3A_190, %get3A_191, %get3A_192] : memref<32x32x8x128xf32, #tpu.memory_space<vmem>>, vector<32x1x8x128xf32>
    %get3A_194 = vector.shape_cast %get3A_193 : vector<32x1x8x128xf32> to vector<32x8x128xf32>
    %reshape3A_195 = vector.shape_cast %get3A_194 : vector<32x8x128xf32> to vector<256x128xf32>
    %get3A_196 = arith.constant 12 : index
    %get3A_197 = arith.constant 0 : index
    %get3A_198 = arith.constant 0 : index
    %get3A_199 = vector.load %arg6[%get3A_196, %get3A_197, %get3A_198] : memref<32x128x100xf32, #tpu.memory_space<vmem>>, vector<1x128x100xf32>
    %get3A_200 = vector.shape_cast %get3A_199 : vector<1x128x100xf32> to vector<128x100xf32>
    %dot_general3A_201 = arith.constant dense<0.000000e+00> : vector<256x100xf32>
    %dot_general3A_202 = tpu.matmul %reshape3A_195, %get3A_200, %dot_general3A_201 {dimension_numbers = #tpu.dot_dimension_numbers<[1], [0], [0], [1], [0, 0, 1, 1], [], []>, transpose_lhs_hint = false} : vector<256x128xf32>, vector<128x100xf32>, vector<256x100xf32> -> vector<256x100xf32>
    %add3A_203 = arith.addf %add3A_188, %dot_general3A_202 : vector<256x100xf32>
    %get3A_204 = arith.constant 0 : index
    %get3A_205 = arith.constant 13 : index
    %get3A_206 = arith.constant 0 : index
    %get3A_207 = arith.constant 0 : index
    %get3A_208 = vector.load %arg2[%get3A_204, %get3A_205, %get3A_206, %get3A_207] : memref<32x32x8x128xf32, #tpu.memory_space<vmem>>, vector<32x1x8x128xf32>
    %get3A_209 = vector.shape_cast %get3A_208 : vector<32x1x8x128xf32> to vector<32x8x128xf32>
    %reshape3A_210 = vector.shape_cast %get3A_209 : vector<32x8x128xf32> to vector<256x128xf32>
    %get3A_211 = arith.constant 13 : index
    %get3A_212 = arith.constant 0 : index
    %get3A_213 = arith.constant 0 : index
    %get3A_214 = vector.load %arg6[%get3A_211, %get3A_212, %get3A_213] : memref<32x128x100xf32, #tpu.memory_space<vmem>>, vector<1x128x100xf32>
    %get3A_215 = vector.shape_cast %get3A_214 : vector<1x128x100xf32> to vector<128x100xf32>
    %dot_general3A_216 = arith.constant dense<0.000000e+00> : vector<256x100xf32>
    %dot_general3A_217 = tpu.matmul %reshape3A_210, %get3A_215, %dot_general3A_216 {dimension_numbers = #tpu.dot_dimension_numbers<[1], [0], [0], [1], [0, 0, 1, 1], [], []>, transpose_lhs_hint = false} : vector<256x128xf32>, vector<128x100xf32>, vector<256x100xf32> -> vector<256x100xf32>
    %add3A_218 = arith.addf %add3A_203, %dot_general3A_217 : vector<256x100xf32>
    %get3A_219 = arith.constant 0 : index
    %get3A_220 = arith.constant 14 : index
    %get3A_221 = arith.constant 0 : index
    %get3A_222 = arith.constant 0 : index
    %get3A_223 = vector.load %arg2[%get3A_219, %get3A_220, %get3A_221, %get3A_222] : memref<32x32x8x128xf32, #tpu.memory_space<vmem>>, vector<32x1x8x128xf32>
    %get3A_224 = vector.shape_cast %get3A_223 : vector<32x1x8x128xf32> to vector<32x8x128xf32>
    %reshape3A_225 = vector.shape_cast %get3A_224 : vector<32x8x128xf32> to vector<256x128xf32>
    %get3A_226 = arith.constant 14 : index
    %get3A_227 = arith.constant 0 : index
    %get3A_228 = arith.constant 0 : index
    %get3A_229 = vector.load %arg6[%get3A_226, %get3A_227, %get3A_228] : memref<32x128x100xf32, #tpu.memory_space<vmem>>, vector<1x128x100xf32>
    %get3A_230 = vector.shape_cast %get3A_229 : vector<1x128x100xf32> to vector<128x100xf32>
    %dot_general3A_231 = arith.constant dense<0.000000e+00> : vector<256x100xf32>
    %dot_general3A_232 = tpu.matmul %reshape3A_225, %get3A_230, %dot_general3A_231 {dimension_numbers = #tpu.dot_dimension_numbers<[1], [0], [0], [1], [0, 0, 1, 1], [], []>, transpose_lhs_hint = false} : vector<256x128xf32>, vector<128x100xf32>, vector<256x100xf32> -> vector<256x100xf32>
    %add3A_233 = arith.addf %add3A_218, %dot_general3A_232 : vector<256x100xf32>
    %get3A_234 = arith.constant 0 : index
    %get3A_235 = arith.constant 15 : index
    %get3A_236 = arith.constant 0 : index
    %get3A_237 = arith.constant 0 : index
    %get3A_238 = vector.load %arg2[%get3A_234, %get3A_235, %get3A_236, %get3A_237] : memref<32x32x8x128xf32, #tpu.memory_space<vmem>>, vector<32x1x8x128xf32>
    %get3A_239 = vector.shape_cast %get3A_238 : vector<32x1x8x128xf32> to vector<32x8x128xf32>
    %reshape3A_240 = vector.shape_cast %get3A_239 : vector<32x8x128xf32> to vector<256x128xf32>
    %get3A_241 = arith.constant 15 : index
    %get3A_242 = arith.constant 0 : index
    %get3A_243 = arith.constant 0 : index
    %get3A_244 = vector.load %arg6[%get3A_241, %get3A_242, %get3A_243] : memref<32x128x100xf32, #tpu.memory_space<vmem>>, vector<1x128x100xf32>
    %get3A_245 = vector.shape_cast %get3A_244 : vector<1x128x100xf32> to vector<128x100xf32>
    %dot_general3A_246 = arith.constant dense<0.000000e+00> : vector<256x100xf32>
    %dot_general3A_247 = tpu.matmul %reshape3A_240, %get3A_245, %dot_general3A_246 {dimension_numbers = #tpu.dot_dimension_numbers<[1], [0], [0], [1], [0, 0, 1, 1], [], []>, transpose_lhs_hint = false} : vector<256x128xf32>, vector<128x100xf32>, vector<256x100xf32> -> vector<256x100xf32>
    %add3A_248 = arith.addf %add3A_233, %dot_general3A_247 : vector<256x100xf32>
    %get3A_249 = arith.constant 0 : index
    %get3A_250 = arith.constant 16 : index
    %get3A_251 = arith.constant 0 : index
    %get3A_252 = arith.constant 0 : index
    %get3A_253 = vector.load %arg2[%get3A_249, %get3A_250, %get3A_251, %get3A_252] : memref<32x32x8x128xf32, #tpu.memory_space<vmem>>, vector<32x1x8x128xf32>
    %get3A_254 = vector.shape_cast %get3A_253 : vector<32x1x8x128xf32> to vector<32x8x128xf32>
    %reshape3A_255 = vector.shape_cast %get3A_254 : vector<32x8x128xf32> to vector<256x128xf32>
    %get3A_256 = arith.constant 16 : index
    %get3A_257 = arith.constant 0 : index
    %get3A_258 = arith.constant 0 : index
    %get3A_259 = vector.load %arg6[%get3A_256, %get3A_257, %get3A_258] : memref<32x128x100xf32, #tpu.memory_space<vmem>>, vector<1x128x100xf32>
    %get3A_260 = vector.shape_cast %get3A_259 : vector<1x128x100xf32> to vector<128x100xf32>
    %dot_general3A_261 = arith.constant dense<0.000000e+00> : vector<256x100xf32>
    %dot_general3A_262 = tpu.matmul %reshape3A_255, %get3A_260, %dot_general3A_261 {dimension_numbers = #tpu.dot_dimension_numbers<[1], [0], [0], [1], [0, 0, 1, 1], [], []>, transpose_lhs_hint = false} : vector<256x128xf32>, vector<128x100xf32>, vector<256x100xf32> -> vector<256x100xf32>
    %add3A_263 = arith.addf %add3A_248, %dot_general3A_262 : vector<256x100xf32>
    %get3A_264 = arith.constant 0 : index
    %get3A_265 = arith.constant 17 : index
    %get3A_266 = arith.constant 0 : index
    %get3A_267 = arith.constant 0 : index
    %get3A_268 = vector.load %arg2[%get3A_264, %get3A_265, %get3A_266, %get3A_267] : memref<32x32x8x128xf32, #tpu.memory_space<vmem>>, vector<32x1x8x128xf32>
    %get3A_269 = vector.shape_cast %get3A_268 : vector<32x1x8x128xf32> to vector<32x8x128xf32>
    %reshape3A_270 = vector.shape_cast %get3A_269 : vector<32x8x128xf32> to vector<256x128xf32>
    %get3A_271 = arith.constant 17 : index
    %get3A_272 = arith.constant 0 : index
    %get3A_273 = arith.constant 0 : index
    %get3A_274 = vector.load %arg6[%get3A_271, %get3A_272, %get3A_273] : memref<32x128x100xf32, #tpu.memory_space<vmem>>, vector<1x128x100xf32>
    %get3A_275 = vector.shape_cast %get3A_274 : vector<1x128x100xf32> to vector<128x100xf32>
    %dot_general3A_276 = arith.constant dense<0.000000e+00> : vector<256x100xf32>
    %dot_general3A_277 = tpu.matmul %reshape3A_270, %get3A_275, %dot_general3A_276 {dimension_numbers = #tpu.dot_dimension_numbers<[1], [0], [0], [1], [0, 0, 1, 1], [], []>, transpose_lhs_hint = false} : vector<256x128xf32>, vector<128x100xf32>, vector<256x100xf32> -> vector<256x100xf32>
    %add3A_278 = arith.addf %add3A_263, %dot_general3A_277 : vector<256x100xf32>
    %get3A_279 = arith.constant 0 : index
    %get3A_280 = arith.constant 18 : index
    %get3A_281 = arith.constant 0 : index
    %get3A_282 = arith.constant 0 : index
    %get3A_283 = vector.load %arg2[%get3A_279, %get3A_280, %get3A_281, %get3A_282] : memref<32x32x8x128xf32, #tpu.memory_space<vmem>>, vector<32x1x8x128xf32>
    %get3A_284 = vector.shape_cast %get3A_283 : vector<32x1x8x128xf32> to vector<32x8x128xf32>
    %reshape3A_285 = vector.shape_cast %get3A_284 : vector<32x8x128xf32> to vector<256x128xf32>
    %get3A_286 = arith.constant 18 : index
    %get3A_287 = arith.constant 0 : index
    %get3A_288 = arith.constant 0 : index
    %get3A_289 = vector.load %arg6[%get3A_286, %get3A_287, %get3A_288] : memref<32x128x100xf32, #tpu.memory_space<vmem>>, vector<1x128x100xf32>
    %get3A_290 = vector.shape_cast %get3A_289 : vector<1x128x100xf32> to vector<128x100xf32>
    %dot_general3A_291 = arith.constant dense<0.000000e+00> : vector<256x100xf32>
    %dot_general3A_292 = tpu.matmul %reshape3A_285, %get3A_290, %dot_general3A_291 {dimension_numbers = #tpu.dot_dimension_numbers<[1], [0], [0], [1], [0, 0, 1, 1], [], []>, transpose_lhs_hint = false} : vector<256x128xf32>, vector<128x100xf32>, vector<256x100xf32> -> vector<256x100xf32>
    %add3A_293 = arith.addf %add3A_278, %dot_general3A_292 : vector<256x100xf32>
    %get3A_294 = arith.constant 0 : index
    %get3A_295 = arith.constant 19 : index
    %get3A_296 = arith.constant 0 : index
    %get3A_297 = arith.constant 0 : index
    %get3A_298 = vector.load %arg2[%get3A_294, %get3A_295, %get3A_296, %get3A_297] : memref<32x32x8x128xf32, #tpu.memory_space<vmem>>, vector<32x1x8x128xf32>
    %get3A_299 = vector.shape_cast %get3A_298 : vector<32x1x8x128xf32> to vector<32x8x128xf32>
    %reshape3A_300 = vector.shape_cast %get3A_299 : vector<32x8x128xf32> to vector<256x128xf32>
    %get3A_301 = arith.constant 19 : index
    %get3A_302 = arith.constant 0 : index
    %get3A_303 = arith.constant 0 : index
    %get3A_304 = vector.load %arg6[%get3A_301, %get3A_302, %get3A_303] : memref<32x128x100xf32, #tpu.memory_space<vmem>>, vector<1x128x100xf32>
    %get3A_305 = vector.shape_cast %get3A_304 : vector<1x128x100xf32> to vector<128x100xf32>
    %dot_general3A_306 = arith.constant dense<0.000000e+00> : vector<256x100xf32>
    %dot_general3A_307 = tpu.matmul %reshape3A_300, %get3A_305, %dot_general3A_306 {dimension_numbers = #tpu.dot_dimension_numbers<[1], [0], [0], [1], [0, 0, 1, 1], [], []>, transpose_lhs_hint = false} : vector<256x128xf32>, vector<128x100xf32>, vector<256x100xf32> -> vector<256x100xf32>
    %add3A_308 = arith.addf %add3A_293, %dot_general3A_307 : vector<256x100xf32>
    %get3A_309 = arith.constant 0 : index
    %get3A_310 = arith.constant 20 : index
    %get3A_311 = arith.constant 0 : index
    %get3A_312 = arith.constant 0 : index
    %get3A_313 = vector.load %arg2[%get3A_309, %get3A_310, %get3A_311, %get3A_312] : memref<32x32x8x128xf32, #tpu.memory_space<vmem>>, vector<32x1x8x128xf32>
    %get3A_314 = vector.shape_cast %get3A_313 : vector<32x1x8x128xf32> to vector<32x8x128xf32>
    %reshape3A_315 = vector.shape_cast %get3A_314 : vector<32x8x128xf32> to vector<256x128xf32>
    %get3A_316 = arith.constant 20 : index
    %get3A_317 = arith.constant 0 : index
    %get3A_318 = arith.constant 0 : index
    %get3A_319 = vector.load %arg6[%get3A_316, %get3A_317, %get3A_318] : memref<32x128x100xf32, #tpu.memory_space<vmem>>, vector<1x128x100xf32>
    %get3A_320 = vector.shape_cast %get3A_319 : vector<1x128x100xf32> to vector<128x100xf32>
    %dot_general3A_321 = arith.constant dense<0.000000e+00> : vector<256x100xf32>
    %dot_general3A_322 = tpu.matmul %reshape3A_315, %get3A_320, %dot_general3A_321 {dimension_numbers = #tpu.dot_dimension_numbers<[1], [0], [0], [1], [0, 0, 1, 1], [], []>, transpose_lhs_hint = false} : vector<256x128xf32>, vector<128x100xf32>, vector<256x100xf32> -> vector<256x100xf32>
    %add3A_323 = arith.addf %add3A_308, %dot_general3A_322 : vector<256x100xf32>
    %get3A_324 = arith.constant 0 : index
    %get3A_325 = arith.constant 21 : index
    %get3A_326 = arith.constant 0 : index
    %get3A_327 = arith.constant 0 : index
    %get3A_328 = vector.load %arg2[%get3A_324, %get3A_325, %get3A_326, %get3A_327] : memref<32x32x8x128xf32, #tpu.memory_space<vmem>>, vector<32x1x8x128xf32>
    %get3A_329 = vector.shape_cast %get3A_328 : vector<32x1x8x128xf32> to vector<32x8x128xf32>
    %reshape3A_330 = vector.shape_cast %get3A_329 : vector<32x8x128xf32> to vector<256x128xf32>
    %get3A_331 = arith.constant 21 : index
    %get3A_332 = arith.constant 0 : index
    %get3A_333 = arith.constant 0 : index
    %get3A_334 = vector.load %arg6[%get3A_331, %get3A_332, %get3A_333] : memref<32x128x100xf32, #tpu.memory_space<vmem>>, vector<1x128x100xf32>
    %get3A_335 = vector.shape_cast %get3A_334 : vector<1x128x100xf32> to vector<128x100xf32>
    %dot_general3A_336 = arith.constant dense<0.000000e+00> : vector<256x100xf32>
    %dot_general3A_337 = tpu.matmul %reshape3A_330, %get3A_335, %dot_general3A_336 {dimension_numbers = #tpu.dot_dimension_numbers<[1], [0], [0], [1], [0, 0, 1, 1], [], []>, transpose_lhs_hint = false} : vector<256x128xf32>, vector<128x100xf32>, vector<256x100xf32> -> vector<256x100xf32>
    %add3A_338 = arith.addf %add3A_323, %dot_general3A_337 : vector<256x100xf32>
    %get3A_339 = arith.constant 0 : index
    %get3A_340 = arith.constant 22 : index
    %get3A_341 = arith.constant 0 : index
    %get3A_342 = arith.constant 0 : index
    %get3A_343 = vector.load %arg2[%get3A_339, %get3A_340, %get3A_341, %get3A_342] : memref<32x32x8x128xf32, #tpu.memory_space<vmem>>, vector<32x1x8x128xf32>
    %get3A_344 = vector.shape_cast %get3A_343 : vector<32x1x8x128xf32> to vector<32x8x128xf32>
    %reshape3A_345 = vector.shape_cast %get3A_344 : vector<32x8x128xf32> to vector<256x128xf32>
    %get3A_346 = arith.constant 22 : index
    %get3A_347 = arith.constant 0 : index
    %get3A_348 = arith.constant 0 : index
    %get3A_349 = vector.load %arg6[%get3A_346, %get3A_347, %get3A_348] : memref<32x128x100xf32, #tpu.memory_space<vmem>>, vector<1x128x100xf32>
    %get3A_350 = vector.shape_cast %get3A_349 : vector<1x128x100xf32> to vector<128x100xf32>
    %dot_general3A_351 = arith.constant dense<0.000000e+00> : vector<256x100xf32>
    %dot_general3A_352 = tpu.matmul %reshape3A_345, %get3A_350, %dot_general3A_351 {dimension_numbers = #tpu.dot_dimension_numbers<[1], [0], [0], [1], [0, 0, 1, 1], [], []>, transpose_lhs_hint = false} : vector<256x128xf32>, vector<128x100xf32>, vector<256x100xf32> -> vector<256x100xf32>
    %add3A_353 = arith.addf %add3A_338, %dot_general3A_352 : vector<256x100xf32>
    %get3A_354 = arith.constant 0 : index
    %get3A_355 = arith.constant 23 : index
    %get3A_356 = arith.constant 0 : index
    %get3A_357 = arith.constant 0 : index
    %get3A_358 = vector.load %arg2[%get3A_354, %get3A_355, %get3A_356, %get3A_357] : memref<32x32x8x128xf32, #tpu.memory_space<vmem>>, vector<32x1x8x128xf32>
    %get3A_359 = vector.shape_cast %get3A_358 : vector<32x1x8x128xf32> to vector<32x8x128xf32>
    %reshape3A_360 = vector.shape_cast %get3A_359 : vector<32x8x128xf32> to vector<256x128xf32>
    %get3A_361 = arith.constant 23 : index
    %get3A_362 = arith.constant 0 : index
    %get3A_363 = arith.constant 0 : index
    %get3A_364 = vector.load %arg6[%get3A_361, %get3A_362, %get3A_363] : memref<32x128x100xf32, #tpu.memory_space<vmem>>, vector<1x128x100xf32>
    %get3A_365 = vector.shape_cast %get3A_364 : vector<1x128x100xf32> to vector<128x100xf32>
    %dot_general3A_366 = arith.constant dense<0.000000e+00> : vector<256x100xf32>
    %dot_general3A_367 = tpu.matmul %reshape3A_360, %get3A_365, %dot_general3A_366 {dimension_numbers = #tpu.dot_dimension_numbers<[1], [0], [0], [1], [0, 0, 1, 1], [], []>, transpose_lhs_hint = false} : vector<256x128xf32>, vector<128x100xf32>, vector<256x100xf32> -> vector<256x100xf32>
    %add3A_368 = arith.addf %add3A_353, %dot_general3A_367 : vector<256x100xf32>
    %get3A_369 = arith.constant 0 : index
    %get3A_370 = arith.constant 24 : index
    %get3A_371 = arith.constant 0 : index
    %get3A_372 = arith.constant 0 : index
    %get3A_373 = vector.load %arg2[%get3A_369, %get3A_370, %get3A_371, %get3A_372] : memref<32x32x8x128xf32, #tpu.memory_space<vmem>>, vector<32x1x8x128xf32>
    %get3A_374 = vector.shape_cast %get3A_373 : vector<32x1x8x128xf32> to vector<32x8x128xf32>
    %reshape3A_375 = vector.shape_cast %get3A_374 : vector<32x8x128xf32> to vector<256x128xf32>
    %get3A_376 = arith.constant 24 : index
    %get3A_377 = arith.constant 0 : index
    %get3A_378 = arith.constant 0 : index
    %get3A_379 = vector.load %arg6[%get3A_376, %get3A_377, %get3A_378] : memref<32x128x100xf32, #tpu.memory_space<vmem>>, vector<1x128x100xf32>
    %get3A_380 = vector.shape_cast %get3A_379 : vector<1x128x100xf32> to vector<128x100xf32>
    %dot_general3A_381 = arith.constant dense<0.000000e+00> : vector<256x100xf32>
    %dot_general3A_382 = tpu.matmul %reshape3A_375, %get3A_380, %dot_general3A_381 {dimension_numbers = #tpu.dot_dimension_numbers<[1], [0], [0], [1], [0, 0, 1, 1], [], []>, transpose_lhs_hint = false} : vector<256x128xf32>, vector<128x100xf32>, vector<256x100xf32> -> vector<256x100xf32>
    %add3A_383 = arith.addf %add3A_368, %dot_general3A_382 : vector<256x100xf32>
    %get3A_384 = arith.constant 0 : index
    %get3A_385 = arith.constant 25 : index
    %get3A_386 = arith.constant 0 : index
    %get3A_387 = arith.constant 0 : index
    %get3A_388 = vector.load %arg2[%get3A_384, %get3A_385, %get3A_386, %get3A_387] : memref<32x32x8x128xf32, #tpu.memory_space<vmem>>, vector<32x1x8x128xf32>
    %get3A_389 = vector.shape_cast %get3A_388 : vector<32x1x8x128xf32> to vector<32x8x128xf32>
    %reshape3A_390 = vector.shape_cast %get3A_389 : vector<32x8x128xf32> to vector<256x128xf32>
    %get3A_391 = arith.constant 25 : index
    %get3A_392 = arith.constant 0 : index
    %get3A_393 = arith.constant 0 : index
    %get3A_394 = vector.load %arg6[%get3A_391, %get3A_392, %get3A_393] : memref<32x128x100xf32, #tpu.memory_space<vmem>>, vector<1x128x100xf32>
    %get3A_395 = vector.shape_cast %get3A_394 : vector<1x128x100xf32> to vector<128x100xf32>
    %dot_general3A_396 = arith.constant dense<0.000000e+00> : vector<256x100xf32>
    %dot_general3A_397 = tpu.matmul %reshape3A_390, %get3A_395, %dot_general3A_396 {dimension_numbers = #tpu.dot_dimension_numbers<[1], [0], [0], [1], [0, 0, 1, 1], [], []>, transpose_lhs_hint = false} : vector<256x128xf32>, vector<128x100xf32>, vector<256x100xf32> -> vector<256x100xf32>
    %add3A_398 = arith.addf %add3A_383, %dot_general3A_397 : vector<256x100xf32>
    %get3A_399 = arith.constant 0 : index
    %get3A_400 = arith.constant 26 : index
    %get3A_401 = arith.constant 0 : index
    %get3A_402 = arith.constant 0 : index
    %get3A_403 = vector.load %arg2[%get3A_399, %get3A_400, %get3A_401, %get3A_402] : memref<32x32x8x128xf32, #tpu.memory_space<vmem>>, vector<32x1x8x128xf32>
    %get3A_404 = vector.shape_cast %get3A_403 : vector<32x1x8x128xf32> to vector<32x8x128xf32>
    %reshape3A_405 = vector.shape_cast %get3A_404 : vector<32x8x128xf32> to vector<256x128xf32>
    %get3A_406 = arith.constant 26 : index
    %get3A_407 = arith.constant 0 : index
    %get3A_408 = arith.constant 0 : index
    %get3A_409 = vector.load %arg6[%get3A_406, %get3A_407, %get3A_408] : memref<32x128x100xf32, #tpu.memory_space<vmem>>, vector<1x128x100xf32>
    %get3A_410 = vector.shape_cast %get3A_409 : vector<1x128x100xf32> to vector<128x100xf32>
    %dot_general3A_411 = arith.constant dense<0.000000e+00> : vector<256x100xf32>
    %dot_general3A_412 = tpu.matmul %reshape3A_405, %get3A_410, %dot_general3A_411 {dimension_numbers = #tpu.dot_dimension_numbers<[1], [0], [0], [1], [0, 0, 1, 1], [], []>, transpose_lhs_hint = false} : vector<256x128xf32>, vector<128x100xf32>, vector<256x100xf32> -> vector<256x100xf32>
    %add3A_413 = arith.addf %add3A_398, %dot_general3A_412 : vector<256x100xf32>
    %get3A_414 = arith.constant 0 : index
    %get3A_415 = arith.constant 27 : index
    %get3A_416 = arith.constant 0 : index
    %get3A_417 = arith.constant 0 : index
    %get3A_418 = vector.load %arg2[%get3A_414, %get3A_415, %get3A_416, %get3A_417] : memref<32x32x8x128xf32, #tpu.memory_space<vmem>>, vector<32x1x8x128xf32>
    %get3A_419 = vector.shape_cast %get3A_418 : vector<32x1x8x128xf32> to vector<32x8x128xf32>
    %reshape3A_420 = vector.shape_cast %get3A_419 : vector<32x8x128xf32> to vector<256x128xf32>
    %get3A_421 = arith.constant 27 : index
    %get3A_422 = arith.constant 0 : index
    %get3A_423 = arith.constant 0 : index
    %get3A_424 = vector.load %arg6[%get3A_421, %get3A_422, %get3A_423] : memref<32x128x100xf32, #tpu.memory_space<vmem>>, vector<1x128x100xf32>
    %get3A_425 = vector.shape_cast %get3A_424 : vector<1x128x100xf32> to vector<128x100xf32>
    %dot_general3A_426 = arith.constant dense<0.000000e+00> : vector<256x100xf32>
    %dot_general3A_427 = tpu.matmul %reshape3A_420, %get3A_425, %dot_general3A_426 {dimension_numbers = #tpu.dot_dimension_numbers<[1], [0], [0], [1], [0, 0, 1, 1], [], []>, transpose_lhs_hint = false} : vector<256x128xf32>, vector<128x100xf32>, vector<256x100xf32> -> vector<256x100xf32>
    %add3A_428 = arith.addf %add3A_413, %dot_general3A_427 : vector<256x100xf32>
    %get3A_429 = arith.constant 0 : index
    %get3A_430 = arith.constant 28 : index
    %get3A_431 = arith.constant 0 : index
    %get3A_432 = arith.constant 0 : index
    %get3A_433 = vector.load %arg2[%get3A_429, %get3A_430, %get3A_431, %get3A_432] : memref<32x32x8x128xf32, #tpu.memory_space<vmem>>, vector<32x1x8x128xf32>
    %get3A_434 = vector.shape_cast %get3A_433 : vector<32x1x8x128xf32> to vector<32x8x128xf32>
    %reshape3A_435 = vector.shape_cast %get3A_434 : vector<32x8x128xf32> to vector<256x128xf32>
    %get3A_436 = arith.constant 28 : index
    %get3A_437 = arith.constant 0 : index
    %get3A_438 = arith.constant 0 : index
    %get3A_439 = vector.load %arg6[%get3A_436, %get3A_437, %get3A_438] : memref<32x128x100xf32, #tpu.memory_space<vmem>>, vector<1x128x100xf32>
    %get3A_440 = vector.shape_cast %get3A_439 : vector<1x128x100xf32> to vector<128x100xf32>
    %dot_general3A_441 = arith.constant dense<0.000000e+00> : vector<256x100xf32>
    %dot_general3A_442 = tpu.matmul %reshape3A_435, %get3A_440, %dot_general3A_441 {dimension_numbers = #tpu.dot_dimension_numbers<[1], [0], [0], [1], [0, 0, 1, 1], [], []>, transpose_lhs_hint = false} : vector<256x128xf32>, vector<128x100xf32>, vector<256x100xf32> -> vector<256x100xf32>
    %add3A_443 = arith.addf %add3A_428, %dot_general3A_442 : vector<256x100xf32>
    %get3A_444 = arith.constant 0 : index
    %get3A_445 = arith.constant 29 : index
    %get3A_446 = arith.constant 0 : index
    %get3A_447 = arith.constant 0 : index
    %get3A_448 = vector.load %arg2[%get3A_444, %get3A_445, %get3A_446, %get3A_447] : memref<32x32x8x128xf32, #tpu.memory_space<vmem>>, vector<32x1x8x128xf32>
    %get3A_449 = vector.shape_cast %get3A_448 : vector<32x1x8x128xf32> to vector<32x8x128xf32>
    %reshape3A_450 = vector.shape_cast %get3A_449 : vector<32x8x128xf32> to vector<256x128xf32>
    %get3A_451 = arith.constant 29 : index
    %get3A_452 = arith.constant 0 : index
    %get3A_453 = arith.constant 0 : index
    %get3A_454 = vector.load %arg6[%get3A_451, %get3A_452, %get3A_453] : memref<32x128x100xf32, #tpu.memory_space<vmem>>, vector<1x128x100xf32>
    %get3A_455 = vector.shape_cast %get3A_454 : vector<1x128x100xf32> to vector<128x100xf32>
    %dot_general3A_456 = arith.constant dense<0.000000e+00> : vector<256x100xf32>
    %dot_general3A_457 = tpu.matmul %reshape3A_450, %get3A_455, %dot_general3A_456 {dimension_numbers = #tpu.dot_dimension_numbers<[1], [0], [0], [1], [0, 0, 1, 1], [], []>, transpose_lhs_hint = false} : vector<256x128xf32>, vector<128x100xf32>, vector<256x100xf32> -> vector<256x100xf32>
    %add3A_458 = arith.addf %add3A_443, %dot_general3A_457 : vector<256x100xf32>
    %get3A_459 = arith.constant 0 : index
    %get3A_460 = arith.constant 30 : index
    %get3A_461 = arith.constant 0 : index
    %get3A_462 = arith.constant 0 : index
    %get3A_463 = vector.load %arg2[%get3A_459, %get3A_460, %get3A_461, %get3A_462] : memref<32x32x8x128xf32, #tpu.memory_space<vmem>>, vector<32x1x8x128xf32>
    %get3A_464 = vector.shape_cast %get3A_463 : vector<32x1x8x128xf32> to vector<32x8x128xf32>
    %reshape3A_465 = vector.shape_cast %get3A_464 : vector<32x8x128xf32> to vector<256x128xf32>
    %get3A_466 = arith.constant 30 : index
    %get3A_467 = arith.constant 0 : index
    %get3A_468 = arith.constant 0 : index
    %get3A_469 = vector.load %arg6[%get3A_466, %get3A_467, %get3A_468] : memref<32x128x100xf32, #tpu.memory_space<vmem>>, vector<1x128x100xf32>
    %get3A_470 = vector.shape_cast %get3A_469 : vector<1x128x100xf32> to vector<128x100xf32>
    %dot_general3A_471 = arith.constant dense<0.000000e+00> : vector<256x100xf32>
    %dot_general3A_472 = tpu.matmul %reshape3A_465, %get3A_470, %dot_general3A_471 {dimension_numbers = #tpu.dot_dimension_numbers<[1], [0], [0], [1], [0, 0, 1, 1], [], []>, transpose_lhs_hint = false} : vector<256x128xf32>, vector<128x100xf32>, vector<256x100xf32> -> vector<256x100xf32>
    %add3A_473 = arith.addf %add3A_458, %dot_general3A_472 : vector<256x100xf32>
    %get3A_474 = arith.constant 0 : index
    %get3A_475 = arith.constant 31 : index
    %get3A_476 = arith.constant 0 : index
    %get3A_477 = arith.constant 0 : index
    %get3A_478 = vector.load %arg2[%get3A_474, %get3A_475, %get3A_476, %get3A_477] : memref<32x32x8x128xf32, #tpu.memory_space<vmem>>, vector<32x1x8x128xf32>
    %get3A_479 = vector.shape_cast %get3A_478 : vector<32x1x8x128xf32> to vector<32x8x128xf32>
    %reshape3A_480 = vector.shape_cast %get3A_479 : vector<32x8x128xf32> to vector<256x128xf32>
    %get3A_481 = arith.constant 31 : index
    %get3A_482 = arith.constant 0 : index
    %get3A_483 = arith.constant 0 : index
    %get3A_484 = vector.load %arg6[%get3A_481, %get3A_482, %get3A_483] : memref<32x128x100xf32, #tpu.memory_space<vmem>>, vector<1x128x100xf32>
    %get3A_485 = vector.shape_cast %get3A_484 : vector<1x128x100xf32> to vector<128x100xf32>
    %dot_general3A_486 = arith.constant dense<0.000000e+00> : vector<256x100xf32>
    %dot_general3A_487 = tpu.matmul %reshape3A_480, %get3A_485, %dot_general3A_486 {dimension_numbers = #tpu.dot_dimension_numbers<[1], [0], [0], [1], [0, 0, 1, 1], [], []>, transpose_lhs_hint = false} : vector<256x128xf32>, vector<128x100xf32>, vector<256x100xf32> -> vector<256x100xf32>
    %add3A_488 = arith.addf %add3A_473, %dot_general3A_487 : vector<256x100xf32>
    %get3A_489 = arith.constant 0 : index
    %get3A_490 = arith.constant 0 : index
    %get3A_491 = vector.load %arg3[%get3A_489, %get3A_490] : memref<256x5248xf32, #tpu.memory_space<vmem>>, vector<256x5248xf32>
    %get3A_492 = arith.constant 0 : index
    %get3A_493 = arith.constant 0 : index
    %get3A_494 = vector.load %arg7[%get3A_492, %get3A_493] : memref<5248x100xf32, #tpu.memory_space<vmem>>, vector<5248x100xf32>
    %dot_general3A_495 = arith.constant dense<0.000000e+00> : vector<256x100xf32>
    %dot_general3A_496 = tpu.matmul %get3A_491, %get3A_494, %dot_general3A_495 {dimension_numbers = #tpu.dot_dimension_numbers<[1], [0], [0], [1], [0, 0, 1, 1], [], []>, transpose_lhs_hint = false} : vector<256x5248xf32>, vector<5248x100xf32>, vector<256x100xf32> -> vector<256x100xf32>
    %add3A_497 = arith.addf %add3A_488, %dot_general3A_496 : vector<256x100xf32>
    %get3A_498 = arith.constant 0 : index
    %get3A_499 = arith.constant 0 : index
    %get3A_500 = vector.load %arg8[%get3A_498, %get3A_499] : memref<1x100xf32, #tpu.memory_space<vmem>>, vector<1x100xf32>
    %add3A_501 = vector.broadcast %get3A_500 : vector<1x100xf32> to vector<256x100xf32>
    %add3A_502 = arith.addf %add3A_497, %add3A_501 : vector<256x100xf32>
    %get3A_503 = arith.constant 0 : index
    %get3A_504 = arith.constant 0 : index
    %get3A_505 = vector.load %arg9[%get3A_503, %get3A_504] : memref<1x100xf32, #tpu.memory_space<vmem>>, vector<1x100xf32>
    %get3A_506 = arith.constant 0 : index
    %get3A_507 = arith.constant 0 : index
    %get3A_508 = vector.load %arg10[%get3A_506, %get3A_507] : memref<1x100xf32, #tpu.memory_space<vmem>>, vector<1x100xf32>
    %reduce_sum3A = arith.constant dense<0.000000e+00> : vector<256xf32>
    %reduce_sum3A_509 = vector.multi_reduction <add>, %add3A_502, %reduce_sum3A [1] : vector<256x100xf32> to vector<256xf32>
    %broadcast_in_dim3A = vector.shape_cast %reduce_sum3A_509 : vector<256xf32> to vector<256x1xf32>
    %div3A = arith.constant 1.000000e+02 : f32
    %div3A_510 = vector.broadcast %div3A : f32 to vector<256x1xf32>
    %div3A_511 = arith.divf %broadcast_in_dim3A, %div3A_510 : vector<256x1xf32>
    %sub3A = vector.broadcast %div3A_511 : vector<256x1xf32> to vector<256x100xf32>
    %sub3A_512 = arith.subf %add3A_502, %sub3A : vector<256x100xf32>
    %sub3A_513 = vector.broadcast %div3A_511 : vector<256x1xf32> to vector<256x100xf32>
    %sub3A_514 = arith.subf %add3A_502, %sub3A_513 : vector<256x100xf32>
    %mul3A = arith.mulf %sub3A_512, %sub3A_514 : vector<256x100xf32>
    %reduce_sum3A_515 = arith.constant dense<0.000000e+00> : vector<256xf32>
    %reduce_sum3A_516 = vector.multi_reduction <add>, %mul3A, %reduce_sum3A_515 [1] : vector<256x100xf32> to vector<256xf32>
    %broadcast_in_dim3A_517 = vector.shape_cast %reduce_sum3A_516 : vector<256xf32> to vector<256x1xf32>
    %div3A_518 = arith.constant 1.000000e+02 : f32
    %div3A_519 = vector.broadcast %div3A_518 : f32 to vector<256x1xf32>
    %div3A_520 = arith.divf %broadcast_in_dim3A_517, %div3A_519 : vector<256x1xf32>
    %sub3A_521 = vector.broadcast %div3A_511 : vector<256x1xf32> to vector<256x100xf32>
    %sub3A_522 = arith.subf %add3A_502, %sub3A_521 : vector<256x100xf32>
    %add3A_523 = arith.constant 9.99999974E-6 : f32
    %add3A_524 = vector.broadcast %add3A_523 : f32 to vector<256x1xf32>
    %add3A_525 = arith.addf %div3A_520, %add3A_524 : vector<256x1xf32>
    %rsqrt3A = math.rsqrt %add3A_525 : vector<256x1xf32>
    %mul3A_526 = vector.broadcast %rsqrt3A : vector<256x1xf32> to vector<256x100xf32>
    %mul3A_527 = arith.mulf %sub3A_522, %mul3A_526 : vector<256x100xf32>
    %mul3A_528 = vector.broadcast %get3A_505 : vector<1x100xf32> to vector<256x100xf32>
    %mul3A_529 = arith.mulf %mul3A_527, %mul3A_528 : vector<256x100xf32>
    %add3A_530 = vector.broadcast %get3A_508 : vector<1x100xf32> to vector<256x100xf32>
    %add3A_531 = arith.addf %mul3A_529, %add3A_530 : vector<256x100xf32>
    %max3A = arith.constant 0.000000e+00 : f32
    %max3A_532 = vector.broadcast %max3A : f32 to vector<256x100xf32>
    %max3A_533 = arith.maximumf %add3A_531, %max3A_532 : vector<256x100xf32>
    %get3A_534 = arith.constant 0 : index
    %get3A_535 = arith.constant 0 : index
    %get3A_536 = vector.load %arg11[%get3A_534, %get3A_535] : memref<100x100xf32, #tpu.memory_space<vmem>>, vector<100x100xf32>
    %dot_general3A_537 = arith.constant dense<0.000000e+00> : vector<256x100xf32>
    %dot_general3A_538 = tpu.matmul %max3A_533, %get3A_536, %dot_general3A_537 {dimension_numbers = #tpu.dot_dimension_numbers<[1], [0], [0], [1], [0, 0, 1, 1], [], []>, transpose_lhs_hint = false} : vector<256x100xf32>, vector<100x100xf32>, vector<256x100xf32> -> vector<256x100xf32>
    %get3A_539 = arith.constant 0 : index
    %get3A_540 = arith.constant 0 : index
    %get3A_541 = vector.load %arg12[%get3A_539, %get3A_540] : memref<1x100xf32, #tpu.memory_space<vmem>>, vector<1x100xf32>
    %add3A_542 = vector.broadcast %get3A_541 : vector<1x100xf32> to vector<256x100xf32>
    %add3A_543 = arith.addf %dot_general3A_538, %add3A_542 : vector<256x100xf32>
    %get3A_544 = arith.constant 0 : index
    %get3A_545 = arith.constant 0 : index
    %get3A_546 = vector.load %arg13[%get3A_544, %get3A_545] : memref<1x100xf32, #tpu.memory_space<vmem>>, vector<1x100xf32>
    %get3A_547 = arith.constant 0 : index
    %get3A_548 = arith.constant 0 : index
    %get3A_549 = vector.load %arg14[%get3A_547, %get3A_548] : memref<1x100xf32, #tpu.memory_space<vmem>>, vector<1x100xf32>
    %reduce_sum3A_550 = arith.constant dense<0.000000e+00> : vector<256xf32>
    %reduce_sum3A_551 = vector.multi_reduction <add>, %add3A_543, %reduce_sum3A_550 [1] : vector<256x100xf32> to vector<256xf32>
    %broadcast_in_dim3A_552 = vector.shape_cast %reduce_sum3A_551 : vector<256xf32> to vector<256x1xf32>
    %div3A_553 = arith.constant 1.000000e+02 : f32
    %div3A_554 = vector.broadcast %div3A_553 : f32 to vector<256x1xf32>
    %div3A_555 = arith.divf %broadcast_in_dim3A_552, %div3A_554 : vector<256x1xf32>
    %sub3A_556 = vector.broadcast %div3A_555 : vector<256x1xf32> to vector<256x100xf32>
    %sub3A_557 = arith.subf %add3A_543, %sub3A_556 : vector<256x100xf32>
    %sub3A_558 = vector.broadcast %div3A_555 : vector<256x1xf32> to vector<256x100xf32>
    %sub3A_559 = arith.subf %add3A_543, %sub3A_558 : vector<256x100xf32>
    %mul3A_560 = arith.mulf %sub3A_557, %sub3A_559 : vector<256x100xf32>
    %reduce_sum3A_561 = arith.constant dense<0.000000e+00> : vector<256xf32>
    %reduce_sum3A_562 = vector.multi_reduction <add>, %mul3A_560, %reduce_sum3A_561 [1] : vector<256x100xf32> to vector<256xf32>
    %broadcast_in_dim3A_563 = vector.shape_cast %reduce_sum3A_562 : vector<256xf32> to vector<256x1xf32>
    %div3A_564 = arith.constant 1.000000e+02 : f32
    %div3A_565 = vector.broadcast %div3A_564 : f32 to vector<256x1xf32>
    %div3A_566 = arith.divf %broadcast_in_dim3A_563, %div3A_565 : vector<256x1xf32>
    %sub3A_567 = vector.broadcast %div3A_555 : vector<256x1xf32> to vector<256x100xf32>
    %sub3A_568 = arith.subf %add3A_543, %sub3A_567 : vector<256x100xf32>
    %add3A_569 = arith.constant 9.99999974E-6 : f32
    %add3A_570 = vector.broadcast %add3A_569 : f32 to vector<256x1xf32>
    %add3A_571 = arith.addf %div3A_566, %add3A_570 : vector<256x1xf32>
    %rsqrt3A_572 = math.rsqrt %add3A_571 : vector<256x1xf32>
    %mul3A_573 = vector.broadcast %rsqrt3A_572 : vector<256x1xf32> to vector<256x100xf32>
    %mul3A_574 = arith.mulf %sub3A_568, %mul3A_573 : vector<256x100xf32>
    %mul3A_575 = vector.broadcast %get3A_546 : vector<1x100xf32> to vector<256x100xf32>
    %mul3A_576 = arith.mulf %mul3A_574, %mul3A_575 : vector<256x100xf32>
    %add3A_577 = vector.broadcast %get3A_549 : vector<1x100xf32> to vector<256x100xf32>
    %add3A_578 = arith.addf %mul3A_576, %add3A_577 : vector<256x100xf32>
    %max3A_579 = arith.constant 0.000000e+00 : f32
    %max3A_580 = vector.broadcast %max3A_579 : f32 to vector<256x100xf32>
    %max3A_581 = arith.maximumf %add3A_578, %max3A_580 : vector<256x100xf32>
    %get3A_582 = arith.constant 0 : index
    %get3A_583 = arith.constant 0 : index
    %get3A_584 = vector.load %arg15[%get3A_582, %get3A_583] : memref<100x1xf32, #tpu.memory_space<vmem>>, vector<100x1xf32>
    %dot_general3A_585 = arith.constant dense<0.000000e+00> : vector<256x1xf32>
    %dot_general3A_586 = tpu.matmul %max3A_581, %get3A_584, %dot_general3A_585 {dimension_numbers = #tpu.dot_dimension_numbers<[1], [0], [0], [1], [0, 0, 1, 1], [], []>, transpose_lhs_hint = false} : vector<256x100xf32>, vector<100x1xf32>, vector<256x1xf32> -> vector<256x1xf32>
    %get3A_587 = arith.constant 0 : index
    %get3A_588 = arith.constant 0 : index
    %get3A_589 = vector.load %arg16[%get3A_587, %get3A_588] : memref<1x1xf32, #tpu.memory_space<vmem>>, vector<1x1xf32>
    %add3A_590 = vector.broadcast %get3A_589 : vector<1x1xf32> to vector<256x1xf32>
    %add3A_591 = arith.addf %dot_general3A_586, %add3A_590 : vector<256x1xf32>
    %neg3A = arith.constant 0.000000e+00 : f32
    %neg3A_592 = vector.broadcast %neg3A : f32 to vector<256x1xf32>
    %neg3A_593 = arith.subf %neg3A_592, %add3A_591 : vector<256x1xf32>
    %exp3A = math.exp %neg3A_593 : vector<256x1xf32>
    %add3A_594 = arith.constant 1.000000e+00 : f32
    %add3A_595 = vector.broadcast %add3A_594 : f32 to vector<256x1xf32>
    %add3A_596 = arith.addf %add3A_595, %exp3A : vector<256x1xf32>
    %div3A_597 = arith.constant 1.000000e+00 : f32
    %div3A_598 = vector.broadcast %div3A_597 : f32 to vector<256x1xf32>
    %div3A_599 = arith.divf %div3A_598, %add3A_596 : vector<256x1xf32>
    %swap3A = arith.constant 0 : index
    %swap3A_600 = arith.constant 0 : index
    %swap3A_601 = vector.load %arg17[%swap3A, %swap3A_600] : memref<256x1xf32, #tpu.memory_space<vmem>>, vector<256x1xf32>
    tpu.vector_store %arg17[%swap3A, %swap3A_600], %div3A_599 {strides = array<i32>} : memref<256x1xf32, #tpu.memory_space<vmem>>, vector<256x1xf32>,
    return
  }
  func.func @transform_0(%arg0: i32) -> (i32, i32) {
    %c0_i32 = arith.constant 0 : i32
    %c0_i32_0 = arith.constant 0 : i32
    return %arg0, %c0_i32 : i32, i32
  }
  func.func @transform_1(%arg0: i32) -> (i32, i32, i32, i32) {
    %c0_i32 = arith.constant 0 : i32
    %c0_i32_0 = arith.constant 0 : i32
    %c0_i32_1 = arith.constant 0 : i32
    %c0_i32_2 = arith.constant 0 : i32
    return %arg0, %c0_i32, %c0_i32_0, %c0_i32_1 : i32, i32, i32, i32
  }
  func.func @transform_2(%arg0: i32) -> (i32, i32) {
    %c0_i32 = arith.constant 0 : i32
    %c0_i32_0 = arith.constant 0 : i32
    return %arg0, %c0_i32 : i32, i32
  }
  func.func @transform_3(%arg0: i32) -> (i32, i32) {
    %c0_i32 = arith.constant 0 : i32
    %c0_i32_0 = arith.constant 0 : i32
    %c0_i32_1 = arith.constant 0 : i32
    return %c0_i32, %c0_i32_0 : i32, i32
  }
  func.func @transform_4(%arg0: i32) -> (i32, i32) {
    %c0_i32 = arith.constant 0 : i32
    %c0_i32_0 = arith.constant 0 : i32
    %c0_i32_1 = arith.constant 0 : i32
    return %c0_i32, %c0_i32_0 : i32, i32
  }
  func.func @transform_5(%arg0: i32) -> (i32, i32, i32) {
    %c0_i32 = arith.constant 0 : i32
    %c0_i32_0 = arith.constant 0 : i32
    %c0_i32_1 = arith.constant 0 : i32
    %c0_i32_2 = arith.constant 0 : i32
    return %c0_i32, %c0_i32_0, %c0_i32_1 : i32, i32, i32
  }
  func.func @transform_6(%arg0: i32) -> (i32, i32) {
    %c0_i32 = arith.constant 0 : i32
    %c0_i32_0 = arith.constant 0 : i32
    %c0_i32_1 = arith.constant 0 : i32
    return %c0_i32, %c0_i32_0 : i32, i32
  }
  func.func @transform_7(%arg0: i32) -> (i32, i32) {
    %c0_i32 = arith.constant 0 : i32
    %c0_i32_0 = arith.constant 0 : i32
    %c0_i32_1 = arith.constant 0 : i32
    return %c0_i32, %c0_i32_0 : i32, i32
  }
  func.func @transform_8(%arg0: i32) -> (i32, i32) {
    %c0_i32 = arith.constant 0 : i32
    %c0_i32_0 = arith.constant 0 : i32
    %c0_i32_1 = arith.constant 0 : i32
    return %c0_i32, %c0_i32_0 : i32, i32
  }
  func.func @transform_9(%arg0: i32) -> (i32, i32) {
    %c0_i32 = arith.constant 0 : i32
    %c0_i32_0 = arith.constant 0 : i32
    %c0_i32_1 = arith.constant 0 : i32
    return %c0_i32, %c0_i32_0 : i32, i32
  }
  func.func @transform_10(%arg0: i32) -> (i32, i32) {
    %c0_i32 = arith.constant 0 : i32
    %c0_i32_0 = arith.constant 0 : i32
    %c0_i32_1 = arith.constant 0 : i32
    return %c0_i32, %c0_i32_0 : i32, i32
  }
  func.func @transform_11(%arg0: i32) -> (i32, i32) {
    %c0_i32 = arith.constant 0 : i32
    %c0_i32_0 = arith.constant 0 : i32
    %c0_i32_1 = arith.constant 0 : i32
    return %c0_i32, %c0_i32_0 : i32, i32
  }
  func.func @transform_12(%arg0: i32) -> (i32, i32) {
    %c0_i32 = arith.constant 0 : i32
    %c0_i32_0 = arith.constant 0 : i32
    %c0_i32_1 = arith.constant 0 : i32
    return %c0_i32, %c0_i32_0 : i32, i32
  }
  func.func @transform_13(%arg0: i32) -> (i32, i32) {
    %c0_i32 = arith.constant 0 : i32
    %c0_i32_0 = arith.constant 0 : i32
    %c0_i32_1 = arith.constant 0 : i32
    return %c0_i32, %c0_i32_0 : i32, i32
  }
  func.func @transform_14(%arg0: i32) -> (i32, i32) {
    %c0_i32 = arith.constant 0 : i32
    %c0_i32_0 = arith.constant 0 : i32
    %c0_i32_1 = arith.constant 0 : i32
    return %c0_i32, %c0_i32_0 : i32, i32
  }
  func.func @transform_15(%arg0: i32) -> (i32, i32) {
    %c0_i32 = arith.constant 0 : i32
    %c0_i32_0 = arith.constant 0 : i32
    %c0_i32_1 = arith.constant 0 : i32
    return %c0_i32, %c0_i32_0 : i32, i32
  }
  func.func @transform_16(%arg0: i32) -> (i32, i32) {
    %c0_i32 = arith.constant 0 : i32
    %c0_i32_0 = arith.constant 0 : i32
    return %arg0, %c0_i32 : i32, i32
  }
}

</mosaic_0001>

<sc_bundles>
// kernel: kernel.4.cloned.1.call-start
scs
__scs_entry_jumppad:
0x0: {  	(pc) =	sbr.rel $0x88, $3  }
0x1: {  	(tag) =	ssettag $0x0;
	lr =	simm.s32 $0x1  }
0x2: {  	[smem:$0x3F92] =	sst lr;
	_ =	strace $0xD0000000  }
0x3: {  	_ = 	snop  }
0x4: {  	_ = 	snop  }
0x5: {  	_ = 	snop  }
0x6: {  	_ = 	snop  }
0x7: {  	_ = 	snop  }
__scs_overlays_trampoline_lowered:
0x8: {  	[smem:$0x3FA1] =	sst s0  }
0x9: {  	[smem:$0x3FA2] =	sst s1  }
0xa: {  	[smem:$0x3FA3] =	sst s2  }
0xb: {  	[smem:$0x3FA4] =	sst s3  }
0xc: {  	[smem:$0x3FA5] =	sst s4  }
0xd: {  	[smem:$0x3FA6] =	sst s5  }
0xe: {  	[smem:$0x3FA7] =	sst s6  }
0xf: {  	[smem:$0x3FA8] =	sst s7  }
0x10: {  	[smem:$0x3FA9] =	sst s8  }
0x11: {  	[smem:$0x3FAA] =	sst s9;
	s0 =	simm.s32 @!p0 $0x0  }
0x12: {  	s1 =	sld [smem:$0x3F90];
	s0 =	simm.s32 @p0 $0x1  }
0x13: {  	[smem:$0x3FAB] =	sst s0;
	s0 =	simm.s32 @!p1 $0x0  }
0x14: {  	s2 =	sld [smem:$0x3F8F];
	s0 =	simm.s32 @p1 $0x1  }
0x15: {  	[smem:$0x3FAC] =	sst s0;
	s0 =	simm.s32 @!p2 $0x0  }
0x16: {  	s3 =	sld [smem:$0x3FDB];
	s0 =	simm.s32 @p2 $0x1  }
0x17: {  	s4 =	simm.s32 $0x1BF5;
	[smem:$0x3FAE] =	sst s0  }
0x18: {  	s0 =	sld [smem:$0x3F91];
	_ =	swait.ge [sflag:s4], $0x0  }
0x19: {  	s7 =	sld [smem:$0x3F92]  }
0x1a: {  	s8 =	sadd.s32 $0xFFFFE003, lr  }
0x1b: {  	s9 =	sadd.s32 $0xFFFFFEF7, lr;
	s5 =	simm.s32 $0xFFFFFFFF;
	p2 =	slt.u32 s8, $0xFFFFF086  }
0x1c: {  	p1 =	slt.u32 s9, $0xF7A;
	s5 =	simm.s32 @!p2 $0x0  }
0x1d: {  	s5 =	simm.s32 @p1 $0x1;
	p0 =	seq.s32 s7, s2  }
0x1e: {  	s7 =	smul.u32 @!p0 $0xF7A, s2;
	p2 =	seq.s32 @!p0 s5, $0x0  }
0x1f: {  	s9 =	smul.u32 $0xF7A, s1;
	s8 =	simm.s32 @!p0 $0x1BF5;
	p2 =	por !p2, p0  }
0x20: {  	[sflag:s8] =	ssyncset.s32 @!p0 $0xFFFFF086;
	s6 =	sadd.s32 @!p0 s3, s7;
	s7 =	simm.s32 @!p0 $0x108  }
0x21: {  	s3 =	sadd.s32 s3, s9;
	s6 =	sadd.s32 @!p0 $0x88, s6;
	s7 =	simm.s32 @p2 $0x1082  }
0x22: {  	[simem:s7], [sflag:s8] =	dma.local @!p0 [hbm:s6], $0xF7A  }
0x23: {  	s9 =	sor.u32 $0xD0000000, s2;
	s6 =	simm.s32 $0x108;
	_ =	swait.ge @!p0 [sflag:s8], $0x0  }
0x24: {  	s3 =	sadd.s32 $0x88, s3;
	s6 =	simm.s32 @!p1 $0x1082;
	[sflag:s4] =	ssyncset.s32 $0xFFFFF086  }
0x25: {  	[simem:s6], [sflag:s4] =	dma.local [hbm:s3], $0xF7A  }
0x26: {  	[smem:$0x3F92] =	sst s1;
	(tag) =	ssettag s2;
	_ =	strace s9  }
0x27: {  	s1 =	sld [smem:$0x3FA2]  }
0x28: {  	s2 =	sld [smem:$0x3FA3]  }
0x29: {  	s4 =	sld [smem:$0x3FA5]  }
0x2a: {  	p0 =	seq.s32 s5, $0x0;
	s5 =	sld [smem:$0x3FA6]  }
0x2b: {  	s6 =	sld [smem:$0x3FA7]  }
0x2c: {  	s7 =	sld [smem:$0x3FA8]  }
0x2d: {  	s3 =	simm.s32 $0x108;
	s8 =	sld [smem:$0x3FA9]  }
0x2e: {  	s3 =	simm.s32 @!p0 $0x1082;
	s9 =	sld [smem:$0x3FAA]  }
0x2f: {  	lr =	sadd.s32 s0, s3;
	s0 =	sld [smem:$0x3FA1]  }
0x30: {  	s3 =	sld [smem:$0x3FA4]  }
0x31: {  	[smem:$0x3FAD] =	sst s10  }
0x32: {  	s10 =	sld [smem:$0x3FAB];
	_ =	sdelay $0x3  }
0x33: {  	p0 =	seq.s32 s10, $0x1;
	s10 =	sld [smem:$0x3FAD];
	_ =	sdelay $0x3  }
0x34: {  	[smem:$0x3FAD] =	sst s10  }
0x35: {  	s10 =	sld [smem:$0x3FAC];
	_ =	sdelay $0x3  }
0x36: {  	p1 =	seq.s32 s10, $0x1;
	s10 =	sld [smem:$0x3FAD];
	_ =	sdelay $0x3  }
0x37: {  	[smem:$0x3FAD] =	sst s10  }
0x38: {  	s10 =	sld [smem:$0x3FAE]  }
0x39: {  	_ = 	snop;
	(pc) =	sbr.ind lr, $3  }
0x3a: {  	_ = 	snop  }
0x3b: {  	_ = 	snop  }
0x3c: {  	p2 =	seq.s32 s10, $0x1;
	s10 =	sld [smem:$0x3FAD]  }
0x3d: {  	_ =	shalt  }
0x3e: {  	_ =	shalt  }
0x3f: {  	_ =	shalt  }
0x40: {  	_ =	shalt  }
0x41: {  	_ =	shalt  }
0x42: {  	_ =	shalt  }
0x43: {  	_ =	shalt  }
0x44: {  	_ =	shalt  }
0x45: {  	_ =	shalt  }
0x46: {  	_ =	shalt  }
0x47: {  	_ =	shalt  }
0x48: {  	_ =	shalt  }
0x49: {  	_ =	shalt  }
0x4a: {  	_ =	shalt  }
0x4b: {  	_ =	shalt  }
0x4c: {  	_ =	shalt  }
0x4d: {  	_ =	shalt  }
0x4e: {  	_ =	shalt  }
0x4f: {  	_ =	shalt  }
0x50: {  	_ =	shalt  }
0x51: {  	_ =	shalt  }
0x52: {  	_ =	shalt  }
0x53: {  	_ =	shalt  }
0x54: {  	_ =	shalt  }
0x55: {  	_ =	shalt  }
0x56: {  	_ =	shalt  }
0x57: {  	_ =	shalt  }
0x58: {  	_ =	shalt  }
0x59: {  	_ =	shalt  }
0x5a: {  	_ =	shalt  }
0x5b: {  	_ =	shalt  }
0x5c: {  	_ =	shalt  }
0x5d: {  	_ =	shalt  }
0x5e: {  	_ =	shalt  }
0x5f: {  	_ =	shalt  }
0x60: {  	_ =	shalt  }
0x61: {  	_ =	shalt  }
0x62: {  	_ =	shalt  }
0x63: {  	_ =	shalt  }
0x64: {  	_ =	shalt  }
0x65: {  	_ =	shalt  }
0x66: {  	_ =	shalt  }
0x67: {  	_ =	shalt  }
0x68: {  	_ =	shalt  }
0x69: {  	_ =	shalt  }
0x6a: {  	_ =	shalt  }
0x6b: {  	_ =	shalt  }
0x6c: {  	_ =	shalt  }
0x6d: {  	_ =	shalt  }
0x6e: {  	_ =	shalt  }
0x6f: {  	_ =	shalt  }
0x70: {  	_ =	shalt  }
0x71: {  	_ =	shalt  }
0x72: {  	_ =	shalt  }
0x73: {  	_ =	shalt  }
0x74: {  	_ =	shalt  }
0x75: {  	_ =	shalt  }
0x76: {  	_ =	shalt  }
0x77: {  	_ =	shalt  }
0x78: {  	_ =	shalt  }
0x79: {  	_ =	shalt  }
0x7a: {  	_ =	shalt  }
0x7b: {  	_ =	shalt  }
0x7c: {  	_ =	shalt  }
0x7d: {  	_ =	shalt  }
0x7e: {  	_ =	shalt  }
0x7f: {  	_ =	shalt  }
0x80: {  	_ =	shalt  }
0x81: {  	_ =	shalt  }
0x82: {  	_ =	shalt  }
0x83: {  	_ =	shalt  }
0x84: {  	_ =	shalt  }
0x85: {  	_ =	shalt  }
0x86: {  	_ =	shalt  }
0x87: {  	_ =	shalt  }
.Lfunc_end0:
.L_simem_size_0:
called_computation_lowered:
.L_overlay_start_0:
0x88: {  	s2 =	sld [smem:$0x3FD9]  }
0x89: {  	s3 =	sld [smem:$0x3FFE];
	_ =	sdelay $0x1  }
0x8a: {  	s1 =	srdreg.scid  }
0x8b: {  	s0 =	sand.u32 $0x1, s1  }
0x8c: {  	s16 =	sshll.u32 s0, $0xA;
	s2 =	sadd.s32 s3, s2  }
0x8d: {  	s2 =	sadd.s32 s2, s16  }
0x8e: {  	[smem:$0x3FB9] =	sst s2  }
0x8f: {  	_ = 	snop  }
0x90: {  	(tm) =	ssettm $0x1  }
0x91: {  	s17 =	sld [smem:$0x3FFB];
	_ =	sdelay $0x3  }
0x92: {  	_ =	strace s17  }
0x93: {  	s2 =	sld [smem:$0x3FFC];
	_ =	sdelay $0x3  }
0x94: {  	_ =	strace s2  }
0x95: {  	s2 =	sld [smem:$0x3FFD];
	_ =	sdelay $0x3  }
0x96: {  	_ =	strace s2  }
0x97: {  	_ =	strace $0x8FFFFFFF  }
0x98: {  	s18 =	sld [smem:$0x3FDB];
	_ =	sdelay $0x1  }
0x99: {  	s19 =	simm.s32 $_scs_section_size  }
0x9a: {  	s4 =	simm.s32 $_size__tile_overlayer_lowered;
	s5 =	simm.s32 $_tile_overlayer_lowered  }
0x9b: {  	s22 =	simm.s32 $0x1BFF;
	s21 =	sshll.u32 s5, $0x1;
	s2 =	sadd.s32 s19, s18  }
0x9c: {  	s6 =	simm.s32 $0x0;
	s20 =	sshll.u32 s4, $0x1;
	s4 =	sadd.s32 s21, s2  }
0x9d: {  	[timem:s6], [sflag:s22] =	dma.local [hbm:s4], s20  }
0x9e: {  	_ =	swait.ge [sflag:s22], s20  }
0x9f: {  	s3 =	ssub.s32 $0x0, s20;
	[sflag:s22] =	ssyncset.done $0x0  }
0xa0: {  	[sflag:s22] =	ssyncadd.s32 s3;
	_ =	sdelay $0x1  }
0xa1: {  	s23 =	simm.s32 $0x1B8B  }
0xa2: {  	_ =	swait.ge [sflag:s23], $0x1  }
0xa3: {  	[sflag:s23] =	ssyncset.done $0x0  }
0xa4: {  	s25 =	simm.s32 $0x1B8E;
	s24 =	sld [smem:$0x3FFE];
	[sflag:s23] =	ssyncadd.s32 $0xFFFFFFFF  }
0xa5: {  	s26 =	simm.s32 $execute0_lowered;
	[smem:$0x3FD2] =	sst s25  }
0xa6: {  	s4 =	sshll.u32 s26, $0x1;
	_ =	strace $0x80000046;
	[dreg:$0x1] =	wrdreg $0xFFFFFFFF  }
0xa7: {  	s28 =	simm.s32 $_size_execute0_lowered;
	s2 =	sadd.s32 s2, s4;
	[dreg:$0x0] =	wrdreg $0x0  }
0xa8: {  	s4 =	sshll.u32 s28, $0x1;
	[dreg:$0x2] =	wrdreg s2  }
0xa9: {  	[dreg:$0x3] =	wrdreg s4  }
0xaa: {  	[dreg:$0x4] =	wrdreg $0xC0  }
0xab: {  	_ =	task [dreg:s6], $0x5FFFF  }
0xac: {  	[dreg:$0x1] =	wrdreg $0xFFFFFFFF  }
0xad: {  	[dreg:$0x0] =	wrdreg $0x60  }
0xae: {  	[dreg:$0x2] =	wrdreg s24  }
0xaf: {  	[dreg:$0x3] =	wrdreg $0x9  }
0xb0: {  	_ =	task.clear_ibuf [dreg:s6], $0x4FFFF;
	_ =	strace $0x90000046  }
0xb1: {  	s29 =	simm.s32 $0x9;
	_ =	strace $0x80000048  }
0xb2: {  	_ =	swait.ge [sflag:s29], $0x1  }
0xb3: {  	[sflag:s29] =	ssyncadd.s32 $0xFFFFFFFF  }
0xb4: {  	_ =	strace $0x90000048  }
0xb5: {  	_ =	sfence  }
0xb6: {  	s30 =	sld [smem:$0x0];
	_ =	sdelay $0x2  }
0xb7: {  	s31 =	sshll.u32 s1, $0xD;
	s1 =	sshrl.u32 s1, $0x2  }
0xb8: {  	s3 =	sand.u32 $0x4000, s31;
	s1 =	sadd.s32 s1, s30  }
0xb9: {  	s0 =	sor.u32 s3, s0;
	s1 =	sshll.u32 s1, $0x11  }
0xba: {  	s0 =	sor.u32 s1, s0  }
0xbb: {  	s0 =	sadd.s32 $0x8F2B, s0  }
0xbc: {  	[sflag:s0] =	ssyncadd.remote.s32 $0x1  }
0xbd: {  	_ =	sfence.sel $0xFFFF  }
0xbe: {  	[dreg:$0x0] =	wrdreg $0xFFFFFFFF;
	(pc) =	sbr.abs _section_cstart, $3  }
0xbf: {  	[dreg:$0x1] =	wrdreg $0xFFFFFFFF  }
0xc0: {  	_ =	task.clear_ibuf [dreg:s6], $0x2FFFF;
	_ =	strace $0x9FFFFFFF  }
0xc1: {  	(tm) =	ssettm $0x7FFFFFFF  }
tec
execute0_lowered:
.L_overlay_start_1:
0x0: {  	(tag) =	ssettag $0x1  }
0x1: {  	s0 =	srdreg.scid  }
0x2: {  	s15 =	stileid.u32;
	s1 =	rddreg [dreg:$0x0];
	s2 =	simm.s32 $0x0  }
0x3: {  	s16 =	simm.s32 $0x80;
	s17 =	simm.s32 $0xB400;
	s18 =	simm.s32 $0xF400  }
0x4: {  	s19 =	simm.s32 $0x1;
	s20 =	simm.s32 $0x2;
	s21 =	simm.s32 $0x13400  }
0x5: {  	s29 =	simm.s32 $0x1780;
	s30 =	simm.s32 $0x1AC00;
	s31 =	simm.s32 $0x0  }
0x6: {  	s0 =	sand.u32 $0x1, s0;
	s3 =	sshll.u32 s15, $0x1;
	[smem:$0x7FF] =	sst s2  }
0x7: {  	s12 =	sadd.s32 $0x4A7E00, s1;
	s13 =	smul.u32 $0x29000, s15;
	s15 =	sshll.u32 s15, $0x14  }
0x8: {  	s10 =	sor.u32 s0, s3;
	_ =	strace $0x80000047;
	s14 =	smul.u32 $0x14800, s0  }
0x9: {  	s7 =	ssub.s32 $0x2, s0;
	s0 =	sshll.u32 s0, $0x13;
	s3 =	smul.u32 $0x1480, s10  }
0xa: {  	s4 =	sshll.u32 s10, $0x9;
	s8 =	sshrl.u32 s7, $0x1;
	s9 =	smul.u32 $0xA4000, s10  }
0xb: {  	s26 =	sshll.u32 s10, $0x10;
	s0 =	sor.u32 s0, s15;
	s28 =	smul.u32 $0x14800, s10  }
0xc: {  	s15 =	simm.s32 $0x1000;
	s5 =	sadd.s32 s4, s1;
	s4 =	sadd.s32 $0x2800, s1  }
0xd: {  	s11 =	ssub.s32 s7, s8;
	s7 =	sadd.s32 s12, s26;
	s13 =	sadd.s32 s14, s13  }
0xe: {  	s0 =	sor.u32 $0x4000, s0;
	s6 =	sadd.s32 s3, s1;
	s3 =	sadd.s32 $0x112D200, s1  }
0xf: {  	s14 =	simm.s32 $0x3;
	s1 =	sadd.s32 $0x217E00, s1;
	s5 =	sadd.s32 $0x213E00, s5  }
0x10: {  	s8 =	sadd.s32 $0xF800, s7;
	s9 =	sshrl.u32 s9, $0x3;
	s13 =	sadd.s32 $0x20000800, s13  }
0x11: {  	s10 =	smax.u32 s11, $0x1;
	s0 =	sshrl.u32 s0, $0x3;
	s6 =	sadd.s32 $0x1EAE00, s6  }
0x12: {  	s9 =	sadd.s32 s1, s9;
	s13 =	sand.u32 $0xFFF800, s13;
	s11 =	sadd.s32 s1, s28  }
0x13: {  	s12 =	sadd.s32 s0, s12;
	s9 =	sadd.s32 $0x14000, s9;
	s23 =	sadd.s32 s13, s1  }
.LBB2_1:
0x14: {  	[tilespmem:s2], [sflag:$0x3] =	stream.linear.gather [hbm4b:s5+s2], $0x1000, $0x38;
	[tilespmem:$0x1B400] =	vst v63  }
0x15: {  	_ =	swait.ge [sflag:s14], $0x1000  }
0x16: {  	[sflag:s14] =	ssyncset.done $0x0  }
0x17: {  	[sflag:s14] =	ssyncadd.s32 $0xFFFFF000  }
0x18: {  	[tilespmem:s15], [sflag:$0x3] =	stream.linear.gather [hbm4b:s6+s2], $0xA400, $0x38;
	[tilespmem:$0x1B400] =	vst v63  }
0x19: {  	_ =	swait.ge [sflag:s14], $0xA400  }
0x1a: {  	[sflag:s14] =	ssyncset.done $0x0  }
0x1b: {  	[sflag:s14] =	ssyncadd.s32 $0xFFFF5C00  }
0x1c: {  	[tilespmem:s17], [sflag:$0x1] =	stream.indirect.gather [hbm4b:s3+s16], $0x80, s2, s16, $0xb8;
	[tilespmem:$0x1B400] =	vst v63  }
0x1d: {  	_ = 	snop  }
0x1e: {  	[tilespmem:s18], [sflag:$0x1] =	stream.indirect.gather [hbm4b:s3+s16], $0x80, s16, s16, $0xb8;
	[tilespmem:$0x1B400] =	vst v63  }
0x1f: {  	_ =	swait.ge [sflag:s19], $0x4000  }
0x20: {  	[sflag:s19] =	ssyncset.done $0x0  }
0x21: {  	[sflag:s19] =	ssyncadd.s32 $0xFFFFC000  }
0x22: {  	[hbm4b:s7+s2] =	stream.linear.scatter [tilespmem:s17], [sflag:$0x2], $0x4000, $0x38;
	[tilespmem:$0x1B400] =	vst v63  }
0x23: {  	s0 =	simm.s32 $0x8000;
	_ =	swait.ge [sflag:s20], $0x4000  }
0x24: {  	s13 =	sand.u32 $0x4000, s0;
	[sflag:s20] =	ssyncset.done $0x0  }
0x25: {  	s28 =	simm.s32 $0x100;
	s1 =	sor.u32 $0xB400, s13;
	[sflag:s20] =	ssyncadd.s32 $0xFFFFC000  }
0x26: {  	[tilespmem:s1], [sflag:$0x1] =	stream.indirect.gather [hbm4b:s3+s16], $0x80, s28, s16, $0xb8;
	[tilespmem:$0x1B400] =	vst v63  }
0x27: {  	s22 =	smov.u32 s12;
	_ =	swait.ge [sflag:s19], $0x4000  }
0x28: {  	s0 =	simm.s32 $0x3;
	s24 =	sxor.u32 $0xF400, s13;
	[sflag:s19] =	ssyncset.done $0x0  }
0x29: {  	s13 =	sadd.s32 $0x800, s12;
	s1 =	simm.s32 $0x180;
	[sflag:s19] =	ssyncadd.s32 $0xFFFFC000  }
.LBB2_2:
0x2a: {  	[hbm4b:s22+s2] =	stream.linear.scatter [tilespmem:s24], [sflag:$0x2], $0x4000, $0x38;
	[tilespmem:$0x1B400] =	vst v63  }
0x2b: {  	s22 =	sshll.u32 s0, $0xE;
	p0 =	sne.s32 s0, $0x1F;
	_ =	swait.ge [sflag:s20], $0x4000  }
0x2c: {  	s0 =	sadd.s32 $0x1, s0;
	s24 =	sand.u32 $0x4000, s22;
	[sflag:s20] =	ssyncset.done $0x0  }
.Ltmp0:
0x2d: {  	s22 =	sor.u32 $0xB400, s24;
	[sflag:s20] =	ssyncadd.s32 $0xFFFFC000;
	(pc) =	sbr.rel @p0 .LBB2_2-.Ltmp0, $4  }
0x2e: {  	[tilespmem:s22], [sflag:$0x1] =	stream.indirect.gather [hbm4b:s3+s16], $0x80, s1, s16, $0xb8;
	[tilespmem:$0x1B400] =	vst v63  }
0x2f: {  	s22 =	smov.u32 s13;
	_ =	swait.ge [sflag:s19], $0x4000  }
0x30: {  	s1 =	sadd.s32 $0x80, s1;
	[sflag:s19] =	ssyncset.done $0x0  }
0x31: {  	s24 =	sxor.u32 $0xF400, s24;
	s13 =	sadd.s32 $0x800, s13;
	[sflag:s19] =	ssyncadd.s32 $0xFFFFC000  }
0x32: {  	[hbm4b:s22+s2] =	stream.linear.scatter [tilespmem:s24], [sflag:$0x2], $0x4000, $0x38;
	[tilespmem:$0x1B400] =	vst v63  }
0x33: {  	_ =	swait.ge [sflag:s19], $0x4000  }
0x34: {  	[sflag:s19] =	ssyncset.done $0x0  }
0x35: {  	s0 =	simm.s32 $0x0;
	[sflag:s19] =	ssyncadd.s32 $0xFFFFC000  }
0x36: {  	[hbm4b:s8+s0] =	stream.linear.scatter [tilespmem:s18], [sflag:$0x2], $0x4000, $0x38;
	[tilespmem:$0x1B400] =	vst v63  }
0x37: {  	_ =	swait.ge [sflag:s20], $0x4000  }
0x38: {  	[sflag:s20] =	ssyncset.done $0x0  }
0x39: {  	[sflag:s20] =	ssyncadd.s32 $0xFFFFC000  }
0x3a: {  	_ =	swait.ge [sflag:s20], $0x4000  }
0x3b: {  	[sflag:s20] =	ssyncset.done $0x0  }
0x3c: {  	[sflag:s20] =	ssyncadd.s32 $0xFFFFC000  }
0x3d: {  	[tilespmem:s21], [sflag:$0x1] =	stream.indirect.gather [hbm4b:s4+s16], $0x10, s15, s16, $0xb8;
	[tilespmem:$0x1B400] =	vst v63  }
0x3e: {  	s1 =	simm.s32 $0x1080;
	s13 =	simm.s32 $0x13C00  }
0x3f: {  	[tilespmem:s13], [sflag:$0x1] =	stream.indirect.gather [hbm4b:s4+s16], $0x10, s1, s16, $0xb8;
	[tilespmem:$0x1B400] =	vst v63  }
0x40: {  	s22 =	simm.s32 $0x14400;
	s13 =	simm.s32 $0x1100  }
0x41: {  	[tilespmem:s22], [sflag:$0x1] =	stream.indirect.gather [hbm4b:s4+s16], $0x10, s13, s16, $0xb8;
	[tilespmem:$0x1B400] =	vst v63  }
0x42: {  	s24 =	simm.s32 $0x1180;
	s25 =	simm.s32 $0x14C00  }
0x43: {  	[tilespmem:s25], [sflag:$0x1] =	stream.indirect.gather [hbm4b:s4+s16], $0x10, s24, s16, $0xb8;
	[tilespmem:$0x1B400] =	vst v63  }
0x44: {  	s26 =	simm.s32 $0x1200;
	s28 =	simm.s32 $0x15400  }
0x45: {  	[tilespmem:s28], [sflag:$0x1] =	stream.indirect.gather [hbm4b:s4+s16], $0x10, s26, s16, $0xb8;
	[tilespmem:$0x1B400] =	vst v63  }
0x46: {  	s13 =	simm.s32 $0x1280;
	s22 =	simm.s32 $0x15C00  }
0x47: {  	[tilespmem:s22], [sflag:$0x1] =	stream.indirect.gather [hbm4b:s4+s16], $0x10, s13, s16, $0xb8;
	[tilespmem:$0x1B400] =	vst v63  }
0x48: {  	s24 =	simm.s32 $0x1300;
	s25 =	simm.s32 $0x16400  }
0x49: {  	[tilespmem:s25], [sflag:$0x1] =	stream.indirect.gather [hbm4b:s4+s16], $0x10, s24, s16, $0xb8;
	[tilespmem:$0x1B400] =	vst v63  }
0x4a: {  	s26 =	simm.s32 $0x1380;
	s28 =	simm.s32 $0x16C00  }
0x4b: {  	[tilespmem:s28], [sflag:$0x1] =	stream.indirect.gather [hbm4b:s4+s16], $0x10, s26, s16, $0xb8;
	[tilespmem:$0x1B400] =	vst v63  }
0x4c: {  	s13 =	simm.s32 $0x1400;
	s22 =	simm.s32 $0x17400  }
0x4d: {  	[tilespmem:s22], [sflag:$0x1] =	stream.indirect.gather [hbm4b:s4+s16], $0x10, s13, s16, $0xb8;
	[tilespmem:$0x1B400] =	vst v63  }
0x4e: {  	s24 =	simm.s32 $0x1480;
	s25 =	simm.s32 $0x17C00  }
0x4f: {  	[tilespmem:s25], [sflag:$0x1] =	stream.indirect.gather [hbm4b:s4+s16], $0x10, s24, s16, $0xb8;
	[tilespmem:$0x1B400] =	vst v63  }
0x50: {  	s26 =	simm.s32 $0x1500;
	s28 =	simm.s32 $0x18400  }
0x51: {  	[tilespmem:s28], [sflag:$0x1] =	stream.indirect.gather [hbm4b:s4+s16], $0x10, s26, s16, $0xb8;
	[tilespmem:$0x1B400] =	vst v63  }
0x52: {  	s13 =	simm.s32 $0x1580;
	s22 =	simm.s32 $0x18C00  }
0x53: {  	[tilespmem:s22], [sflag:$0x1] =	stream.indirect.gather [hbm4b:s4+s16], $0x10, s13, s16, $0xb8;
	[tilespmem:$0x1B400] =	vst v63  }
0x54: {  	s24 =	simm.s32 $0x1600;
	s25 =	simm.s32 $0x19400  }
0x55: {  	[tilespmem:s25], [sflag:$0x1] =	stream.indirect.gather [hbm4b:s4+s16], $0x10, s24, s16, $0xb8;
	[tilespmem:$0x1B400] =	vst v63  }
0x56: {  	s26 =	simm.s32 $0x1680;
	s28 =	simm.s32 $0x19C00  }
0x57: {  	[tilespmem:s28], [sflag:$0x1] =	stream.indirect.gather [hbm4b:s4+s16], $0x10, s26, s16, $0xb8;
	[tilespmem:$0x1B400] =	vst v63  }
0x58: {  	s13 =	simm.s32 $0x1700;
	s22 =	simm.s32 $0x1A400  }
0x59: {  	[tilespmem:s22], [sflag:$0x1] =	stream.indirect.gather [hbm4b:s4+s16], $0x10, s13, s16, $0xb8;
	[tilespmem:$0x1B400] =	vst v63  }
0x5a: {  	_ = 	snop  }
0x5b: {  	[tilespmem:s30], [sflag:$0x1] =	stream.indirect.gather [hbm4b:s4+s16], $0x10, s29, s16, $0xb8;
	[tilespmem:$0x1B400] =	vst v63  }
0x5c: {  	_ =	swait.ge [sflag:s19], $0x800  }
0x5d: {  	[sflag:s19] =	ssyncset.done $0x0  }
0x5e: {  	[sflag:s19] =	ssyncadd.s32 $0xFFFFF800  }
0x5f: {  	_ =	swait.ge [sflag:s19], $0x800  }
0x60: {  	[sflag:s19] =	ssyncset.done $0x0  }
0x61: {  	[sflag:s19] =	ssyncadd.s32 $0xFFFFF800  }
0x62: {  	_ =	swait.ge [sflag:s19], $0x800  }
0x63: {  	[sflag:s19] =	ssyncset.done $0x0  }
0x64: {  	[sflag:s19] =	ssyncadd.s32 $0xFFFFF800  }
0x65: {  	_ =	swait.ge [sflag:s19], $0x800  }
0x66: {  	[sflag:s19] =	ssyncset.done $0x0  }
0x67: {  	[sflag:s19] =	ssyncadd.s32 $0xFFFFF800  }
0x68: {  	_ =	swait.ge [sflag:s19], $0x800  }
0x69: {  	[sflag:s19] =	ssyncset.done $0x0  }
0x6a: {  	[sflag:s19] =	ssyncadd.s32 $0xFFFFF800  }
0x6b: {  	_ =	swait.ge [sflag:s19], $0x800  }
0x6c: {  	[sflag:s19] =	ssyncset.done $0x0  }
0x6d: {  	[sflag:s19] =	ssyncadd.s32 $0xFFFFF800  }
0x6e: {  	_ =	swait.ge [sflag:s19], $0x800  }
0x6f: {  	[sflag:s19] =	ssyncset.done $0x0  }
0x70: {  	[sflag:s19] =	ssyncadd.s32 $0xFFFFF800  }
0x71: {  	_ =	swait.ge [sflag:s19], $0x800  }
0x72: {  	[sflag:s19] =	ssyncset.done $0x0  }
0x73: {  	[sflag:s19] =	ssyncadd.s32 $0xFFFFF800  }
0x74: {  	[hbm4b:s11+s0] =	stream.linear.scatter [tilespmem:s21], [sflag:$0x2], $0x4000, $0x38;
	[tilespmem:$0x1B400] =	vst v63  }
0x75: {  	s24 =	simm.s32 $0x8000;
	_ =	swait.ge [sflag:s20], $0x4000  }
0x76: {  	s13 =	sand.u32 $0x4000, s24;
	[sflag:s20] =	ssyncset.done $0x0  }
0x77: {  	s25 =	simm.s32 $0x1800;
	s0 =	sor.u32 $0x13400, s13;
	[sflag:s20] =	ssyncadd.s32 $0xFFFFC000  }
0x78: {  	[tilespmem:s0], [sflag:$0x1] =	stream.indirect.gather [hbm4b:s4+s16], $0x10, s25, s16, $0xb8;
	[tilespmem:$0x1B400] =	vst v63  }
0x79: {  	s28 =	simm.s32 $0x1880;
	s26 =	sor.u32 $0x13C00, s13  }
0x7a: {  	[tilespmem:s26], [sflag:$0x1] =	stream.indirect.gather [hbm4b:s4+s16], $0x10, s28, s16, $0xb8;
	[tilespmem:$0x1B400] =	vst v63  }
0x7b: {  	s22 =	simm.s32 $0x1900;
	s1 =	sadd.s32 $0x14400, s13  }
0x7c: {  	[tilespmem:s1], [sflag:$0x1] =	stream.indirect.gather [hbm4b:s4+s16], $0x10, s22, s16, $0xb8;
	[tilespmem:$0x1B400] =	vst v63  }
0x7d: {  	s24 =	sadd.s32 $0x14C00, s13;
	s25 =	simm.s32 $0x1980  }
0x7e: {  	[tilespmem:s24], [sflag:$0x1] =	stream.indirect.gather [hbm4b:s4+s16], $0x10, s25, s16, $0xb8;
	[tilespmem:$0x1B400] =	vst v63  }
0x7f: {  	s26 =	sadd.s32 $0x15400, s13;
	s28 =	simm.s32 $0x1A00  }
0x80: {  	[tilespmem:s26], [sflag:$0x1] =	stream.indirect.gather [hbm4b:s4+s16], $0x10, s28, s16, $0xb8;
	[tilespmem:$0x1B400] =	vst v63  }
0x81: {  	s1 =	sadd.s32 $0x15C00, s13;
	s22 =	simm.s32 $0x1A80  }
0x82: {  	[tilespmem:s1], [sflag:$0x1] =	stream.indirect.gather [hbm4b:s4+s16], $0x10, s22, s16, $0xb8;
	[tilespmem:$0x1B400] =	vst v63  }
0x83: {  	s24 =	sadd.s32 $0x16400, s13;
	s25 =	simm.s32 $0x1B00  }
0x84: {  	[tilespmem:s24], [sflag:$0x1] =	stream.indirect.gather [hbm4b:s4+s16], $0x10, s25, s16, $0xb8;
	[tilespmem:$0x1B400] =	vst v63  }
0x85: {  	s26 =	sadd.s32 $0x16C00, s13;
	s28 =	simm.s32 $0x1B80  }
0x86: {  	[tilespmem:s26], [sflag:$0x1] =	stream.indirect.gather [hbm4b:s4+s16], $0x10, s28, s16, $0xb8;
	[tilespmem:$0x1B400] =	vst v63  }
0x87: {  	_ =	swait.ge [sflag:s19], $0x800  }
0x88: {  	[sflag:s19] =	ssyncset.done $0x0  }
0x89: {  	[sflag:s19] =	ssyncadd.s32 $0xFFFFF800  }
0x8a: {  	_ =	swait.ge [sflag:s19], $0x800  }
0x8b: {  	[sflag:s19] =	ssyncset.done $0x0  }
0x8c: {  	[sflag:s19] =	ssyncadd.s32 $0xFFFFF800  }
0x8d: {  	_ =	swait.ge [sflag:s19], $0x800  }
0x8e: {  	[sflag:s19] =	ssyncset.done $0x0  }
0x8f: {  	[sflag:s19] =	ssyncadd.s32 $0xFFFFF800  }
0x90: {  	_ =	swait.ge [sflag:s19], $0x800  }
0x91: {  	[sflag:s19] =	ssyncset.done $0x0  }
0x92: {  	[sflag:s19] =	ssyncadd.s32 $0xFFFFF800  }
0x93: {  	_ =	swait.ge [sflag:s19], $0x800  }
0x94: {  	[sflag:s19] =	ssyncset.done $0x0  }
0x95: {  	[sflag:s19] =	ssyncadd.s32 $0xFFFFF800  }
0x96: {  	_ =	swait.ge [sflag:s19], $0x800  }
0x97: {  	[sflag:s19] =	ssyncset.done $0x0  }
0x98: {  	[sflag:s19] =	ssyncadd.s32 $0xFFFFF800  }
0x99: {  	_ =	swait.ge [sflag:s19], $0x800  }
0x9a: {  	[sflag:s19] =	ssyncset.done $0x0  }
0x9b: {  	[sflag:s19] =	ssyncadd.s32 $0xFFFFF800  }
0x9c: {  	s0 =	simm.s32 $0xC000;
	_ =	swait.ge [sflag:s19], $0x800  }
0x9d: {  	s1 =	simm.s32 $0x1000;
	s22 =	sadd.s32 $0x800, s23;
	[sflag:s19] =	ssyncset.done $0x0  }
0x9e: {  	s24 =	sxor.u32 $0x17400, s13;
	s13 =	smov.u32 s23;
	[sflag:s19] =	ssyncadd.s32 $0xFFFFF800  }
.LBB2_4:
0x9f: {  	[hbm4b:s13+s2] =	stream.linear.scatter [tilespmem:s24], [sflag:$0x2], $0x4000, $0x38;
	[tilespmem:$0x1B400] =	vst v63  }
0xa0: {  	s25 =	smov.u32 s1;
	s13 =	smov.u32 s22  }
0xa1: {  	p0 =	sne.s32 s1, $0x26000;
	s1 =	sadd.s32 $0x1000, s1;
	_ =	swait.ge [sflag:s20], $0x4000  }
0xa2: {  	s24 =	sand.u32 $0x4000, s0;
	s25 =	sshra.s32 s25, $0x2;
	[sflag:s20] =	ssyncset.done $0x0  }
0xa3: {  	s26 =	sor.u32 $0x13400, s24;
	s28 =	sadd.s32 $0x1800, s25;
	[sflag:s20] =	ssyncadd.s32 $0xFFFFC000  }
0xa4: {  	[tilespmem:s26], [sflag:$0x1] =	stream.indirect.gather [hbm4b:s4+s16], $0x10, s28, s16, $0xb8;
	[tilespmem:$0x1B400] =	vst v63  }
0xa5: {  	s26 =	sor.u32 $0x13C00, s24;
	s28 =	sadd.s32 $0x1880, s25  }
0xa6: {  	[tilespmem:s26], [sflag:$0x1] =	stream.indirect.gather [hbm4b:s4+s16], $0x10, s28, s16, $0xb8;
	[tilespmem:$0x1B400] =	vst v63  }
0xa7: {  	s26 =	sadd.s32 $0x14400, s24;
	s28 =	sadd.s32 $0x1900, s25  }
0xa8: {  	[tilespmem:s26], [sflag:$0x1] =	stream.indirect.gather [hbm4b:s4+s16], $0x10, s28, s16, $0xb8;
	[tilespmem:$0x1B400] =	vst v63  }
0xa9: {  	s26 =	sadd.s32 $0x14C00, s24;
	s28 =	sadd.s32 $0x1980, s25  }
0xaa: {  	[tilespmem:s26], [sflag:$0x1] =	stream.indirect.gather [hbm4b:s4+s16], $0x10, s28, s16, $0xb8;
	[tilespmem:$0x1B400] =	vst v63  }
0xab: {  	s26 =	sadd.s32 $0x15400, s24;
	s28 =	sadd.s32 $0x1A00, s25  }
0xac: {  	[tilespmem:s26], [sflag:$0x1] =	stream.indirect.gather [hbm4b:s4+s16], $0x10, s28, s16, $0xb8;
	[tilespmem:$0x1B400] =	vst v63  }
0xad: {  	s26 =	sadd.s32 $0x15C00, s24;
	s28 =	sadd.s32 $0x1A80, s25  }
0xae: {  	[tilespmem:s26], [sflag:$0x1] =	stream.indirect.gather [hbm4b:s4+s16], $0x10, s28, s16, $0xb8;
	[tilespmem:$0x1B400] =	vst v63  }
0xaf: {  	s26 =	sadd.s32 $0x16400, s24;
	s28 =	sadd.s32 $0x1B00, s25  }
0xb0: {  	[tilespmem:s26], [sflag:$0x1] =	stream.indirect.gather [hbm4b:s4+s16], $0x10, s28, s16, $0xb8;
	[tilespmem:$0x1B400] =	vst v63  }
0xb1: {  	s25 =	sadd.s32 $0x1B80, s25;
	s26 =	sadd.s32 $0x16C00, s24  }
0xb2: {  	[tilespmem:s26], [sflag:$0x1] =	stream.indirect.gather [hbm4b:s4+s16], $0x10, s25, s16, $0xb8;
	[tilespmem:$0x1B400] =	vst v63  }
0xb3: {  	_ =	swait.ge [sflag:s19], $0x800  }
0xb4: {  	[sflag:s19] =	ssyncset.done $0x0  }
0xb5: {  	[sflag:s19] =	ssyncadd.s32 $0xFFFFF800  }
0xb6: {  	_ =	swait.ge [sflag:s19], $0x800  }
0xb7: {  	[sflag:s19] =	ssyncset.done $0x0  }
0xb8: {  	[sflag:s19] =	ssyncadd.s32 $0xFFFFF800  }
0xb9: {  	_ =	swait.ge [sflag:s19], $0x800  }
0xba: {  	[sflag:s19] =	ssyncset.done $0x0  }
0xbb: {  	[sflag:s19] =	ssyncadd.s32 $0xFFFFF800  }
0xbc: {  	_ =	swait.ge [sflag:s19], $0x800  }
0xbd: {  	[sflag:s19] =	ssyncset.done $0x0  }
0xbe: {  	[sflag:s19] =	ssyncadd.s32 $0xFFFFF800  }
0xbf: {  	_ =	swait.ge [sflag:s19], $0x800  }
0xc0: {  	[sflag:s19] =	ssyncset.done $0x0  }
0xc1: {  	[sflag:s19] =	ssyncadd.s32 $0xFFFFF800  }
0xc2: {  	_ =	swait.ge [sflag:s19], $0x800  }
0xc3: {  	[sflag:s19] =	ssyncset.done $0x0  }
0xc4: {  	[sflag:s19] =	ssyncadd.s32 $0xFFFFF800  }
0xc5: {  	_ =	swait.ge [sflag:s19], $0x800  }
.Ltmp1:
0xc6: {  	[sflag:s19] =	ssyncset.done $0x0;
	(pc) =	sbr.rel @p0 .LBB2_4-.Ltmp1, $4  }
0xc7: {  	[sflag:s19] =	ssyncadd.s32 $0xFFFFF800  }
0xc8: {  	_ =	swait.ge [sflag:s19], $0x800  }
0xc9: {  	s0 =	sadd.s32 $0x4000, s0;
	[sflag:s19] =	ssyncset.done $0x0  }
0xca: {  	s22 =	sadd.s32 $0x800, s22;
	s24 =	sxor.u32 $0x17400, s24;
	[sflag:s19] =	ssyncadd.s32 $0xFFFFF800  }
0xcb: {  	[hbm4b:s13+s2] =	stream.linear.scatter [tilespmem:s24], [sflag:$0x2], $0x4000, $0x38;
	[tilespmem:$0x1B400] =	vst v63  }
0xcc: {  	_ =	swait.ge [sflag:s19], $0x800  }
0xcd: {  	[sflag:s19] =	ssyncset.done $0x0  }
0xce: {  	[sflag:s19] =	ssyncadd.s32 $0xFFFFF800  }
0xcf: {  	_ =	swait.ge [sflag:s19], $0x800  }
0xd0: {  	[sflag:s19] =	ssyncset.done $0x0  }
0xd1: {  	[sflag:s19] =	ssyncadd.s32 $0xFFFFF800  }
0xd2: {  	_ =	swait.ge [sflag:s19], $0x800  }
0xd3: {  	[sflag:s19] =	ssyncset.done $0x0  }
0xd4: {  	[sflag:s19] =	ssyncadd.s32 $0xFFFFF800  }
0xd5: {  	_ =	swait.ge [sflag:s19], $0x800  }
0xd6: {  	[sflag:s19] =	ssyncset.done $0x0  }
0xd7: {  	[sflag:s19] =	ssyncadd.s32 $0xFFFFF800  }
0xd8: {  	_ =	swait.ge [sflag:s19], $0x800  }
0xd9: {  	[sflag:s19] =	ssyncset.done $0x0  }
0xda: {  	[sflag:s19] =	ssyncadd.s32 $0xFFFFF800  }
0xdb: {  	_ =	swait.ge [sflag:s19], $0x800  }
0xdc: {  	[sflag:s19] =	ssyncset.done $0x0  }
0xdd: {  	[sflag:s19] =	ssyncadd.s32 $0xFFFFF800  }
0xde: {  	_ =	swait.ge [sflag:s19], $0x800  }
0xdf: {  	[sflag:s19] =	ssyncset.done $0x0  }
0xe0: {  	[sflag:s19] =	ssyncadd.s32 $0xFFFFF800  }
0xe1: {  	_ =	swait.ge [sflag:s19], $0x800  }
0xe2: {  	[sflag:s19] =	ssyncset.done $0x0  }
0xe3: {  	s31 =	sadd.s32 $0x1, s31;
	[sflag:s19] =	ssyncadd.s32 $0xFFFFF800  }
0xe4: {  	[hbm4b:s9+s2] =	stream.linear.scatter [tilespmem:s21], [sflag:$0x2], $0x4000, $0x38;
	[tilespmem:$0x1B400] =	vst v63  }
0xe5: {  	p0 =	sne.s32 s31, s10;
	_ =	swait.ge [sflag:s20], $0x4000  }
.Ltmp2:
0xe6: {  	[sflag:s20] =	ssyncset.done $0x0;
	(pc) =	sbr.rel @p0 .LBB2_1-.Ltmp2, $4  }
0xe7: {  	[sflag:s20] =	ssyncadd.s32 $0xFFFFC000  }
0xe8: {  	_ =	swait.ge [sflag:s20], $0x4000  }
0xe9: {  	[sflag:s20] =	ssyncset.done $0x0  }
0xea: {  	[sflag:s20] =	ssyncadd.s32 $0xFFFFC000  }
0xeb: {  	_ =	sfence.sel $0x180000  }
0xec: {  	[bflag:$0x0] =	sbarrier.arrive $0xFFFF  }
0xed: {  	_ =	strace $0x90000047  }
0xee: {  	s0 =	stileid.u32;
	[bflag:$0x2] =	sbarrier.arrive $0xFFFF  }
0xef: {  	p0 =	sne.s32 s0, $0x0;
	s0 =	rddreg [dreg:$0x1]  }
0xf0: {  	s0 =	sadd.s32 @!p0 $0x100000, s0  }
0xf1: {  	[sflag:s0] =	ssyncadd.tile.s32 @!p0 $0x1;
	_ =	shalt  }
.Lfunc_end2:
_tile_overlayer_lowered:
.L_overlay_start_2:
0xf2: {  	(tag) =	ssettag $0x2  }
0xf3: {  	s0 =	rddreg [dreg:$0x0];
	s2 =	stileid.u32  }
0xf4: {  	s1 =	rddreg [dreg:$0x1];
	p0 =	sne.s32 s2, $0x0  }
0xf5: {  	s3 =	rddreg [dreg:$0x2];
	[bflag:$0x3] =	sbarrier.arrive $0xFFFF;
	s2 =	simm.s32 @!p0 $0x1C03  }
0xf6: {  	[timem:s3], [sflag:s2] =	dma.local @!p0 [hbm:s0], s1  }
0xf7: {  	s0 =	simm.s32 @!p0 $0x3  }
0xf8: {  	_ =	swait.ge @!p0 [sflag:s0], s1  }
0xf9: {  	s1 =	ssub.s32 @!p0 $0x0, s1;
	[sflag:s0] =	ssyncset.done @!p0 $0x0  }
0xfa: {  	[sflag:s0] =	ssyncadd.s32 @!p0 s1  }
0xfb: {  	[bflag:$0x3] =	sbarrier.arrive $0xFFFF  }
0xfc: {  	_ =	shalt  }

</sc_bundles>
